<compile_context>
chip_gen: v7x
topology: tpu7x:2x2x1
jax: 0.10.2.dev20260603
libtpu: 0.0.44.dev20260713+nightly
codegen_flags: <defaults>
</compile_context>

<pallas_src>
import functools

import jax
import jax.numpy as jnp
from jax import lax
from jax.experimental import pallas as pl
from jax.experimental.pallas import tpu as pltpu
from jax.experimental.pallas import tpu_sc as plsc

VOCAB = 8192
N = 8192
D = VOCAB

_info = plsc.get_sparse_core_info()
NC, NS = _info.num_cores, _info.num_subcores
NW = NC * NS
RPW = N // NW
CH = 2
NCH = RPW // CH
NBUF = 4
LEAD = 2
LANES = 16
DV = D // LANES


def _sc_gather_body(idx_hbm, tgt_hbm, table_hbm, out_hbm, part_hbm,
                    s_hbm, idx_v, tgt_v, acc_v, sst_v, srow_v,
                    bufs, in_sems, out_sems):
    wid = lax.axis_index("s") * NC + lax.axis_index("c")
    base = wid * RPW
    pltpu.sync_copy(idx_hbm.at[wid], idx_v)
    pltpu.sync_copy(tgt_hbm.at[wid], tgt_v)
    acc_v[...] = jnp.zeros((LANES,), jnp.float32)
    lanes = lax.iota(jnp.int32, LANES)
    rows16 = jnp.minimum(lanes, CH - 1)
    lanemask = lanes < CH

    def start_gather(j, b):
        pltpu.async_copy(table_hbm.at[idx_v.at[j]], bufs[b], in_sems[b])

    def out_slice(j):
        return out_hbm.at[pl.ds(base + j * CH, CH)]

    for u in range(LEAD):
        start_gather(u, u)

    @pl.loop(0, NCH, step=NBUF)
    def _(j0):
        for u in range(NBUF):
            j = j0 + u
            b = u
            pltpu.make_async_copy(
                table_hbm.at[idx_v.at[j]], bufs[b], in_sems[b]
            ).wait()
            pltpu.async_copy(bufs[b], out_slice(j), out_sems[b])
            jn = j + LEAD
            bn = (u + LEAD) % NBUF

            @pl.when(jn < NCH)
            def _():
                @pl.when(j >= LEAD)
                def _():
                    pltpu.make_async_copy(
                        bufs[bn], out_slice(j - LEAD), out_sems[bn]
                    ).wait()

                start_gather(jn, bn)

            f = jnp.minimum(j * CH + lanes, j * CH + CH - 1)
            tcols = plsc.load_gather(tgt_v, [f >> 7, f & 127])
            vals = plsc.load_gather(bufs[b], [rows16, tcols])
            plsc.addupdate(acc_v.at[:], jnp.where(lanemask, vals, 0.0))

            for r in range(CH):
                rg = j * CH + r

                @pl.loop(
                    0, DV,
                    init_carry=jnp.zeros((LANES,), jnp.float32),
                    unroll=8,
                )
                def s16(k, s):
                    return s + jnp.exp(bufs[b][r, pl.ds(k * LANES, LANES)])

                s = jnp.sum(s16)
                slot = rg & (LANES - 1)
                sst_v[...] = jnp.where(lanes == slot, s, sst_v[...])

                @pl.when(slot == LANES - 1)
                def _():
                    g = rg - (LANES - 1)
                    srow_v[pl.ds(g, LANES)] = sst_v[...]

    pltpu.sync_copy(acc_v, part_hbm.at[wid])
    pltpu.sync_copy(srow_v, s_hbm.at[wid])

    for u in range(NBUF):
        j = NCH - NBUF + u
        pltpu.make_async_copy(bufs[u], out_slice(j), out_sems[u]).wait()


_sc_gather = functools.partial(
    pl.kernel,
    out_type=(
        jax.ShapeDtypeStruct((N, D), jnp.float32),
        jax.ShapeDtypeStruct((NW, LANES), jnp.float32),
        jax.ShapeDtypeStruct((NW, RPW), jnp.float32),
    ),
    mesh=plsc.VectorSubcoreMesh(core_axis_name="c", subcore_axis_name="s"),
    compiler_params=pltpu.CompilerParams(needs_layout_passes=False),
    scratch_types=[
        pltpu.VMEM((NCH, CH), jnp.int32),
        pltpu.VMEM((RPW // 128, 128), jnp.int32),
        pltpu.VMEM((LANES,), jnp.float32),
        pltpu.VMEM((LANES,), jnp.float32),
        pltpu.VMEM((RPW,), jnp.float32),
        [pltpu.VMEM((CH, D), jnp.float32)] * NBUF,
        [pltpu.SemaphoreType.DMA] * NBUF,
        [pltpu.SemaphoreType.DMA] * NBUF,
    ],
)(_sc_gather_body)


def _tc_finish_body(ptgt_ref, s_ref, loss_ref):
    lse = jnp.log(s_ref[...])
    total = jnp.sum(lse) - jnp.sum(ptgt_ref[...])
    loss_ref[...] = jnp.full((8, 128), total / N, jnp.float32)


_tc_finish = pl.pallas_call(
    _tc_finish_body,
    in_specs=[
        pl.BlockSpec((NW, LANES), lambda: (0, 0)),
        pl.BlockSpec((NW, RPW), lambda: (0, 0)),
    ],
    out_specs=pl.BlockSpec((8, 128), lambda: (0, 0)),
    out_shape=jax.ShapeDtypeStruct((8, 128), jnp.float32),
)


def kernel(index, target, table):
    idx3 = index.reshape(NW, NCH, CH).astype(jnp.int32)
    tgt3 = target.reshape(NW, RPW // 128, 128).astype(jnp.int32)
    logits2, part_tgt, srow = _sc_gather(idx3, tgt3, table)
    loss = _tc_finish(part_tgt, srow)[0, 0]
    return logits2, loss

# --- scband reference (transcript-rebuilt; emitter-appended) ---
"""Pipeline reference for scband-bigram-24893630447617 (READ-ONLY COPY).

The authoritative reference and input builder live on the scoring server;
editing this copy changes nothing except your own understanding.
"""

import jax, jax.numpy as jnp
import numpy as np

VOCAB = 8192
B, T = 64, 128


def setup_inputs(seed: int = 0) -> dict:
    key = jax.random.key(seed)
    k1, k2, k3 = jax.random.split(key, 3)
    index = jax.random.randint(k1, (B, T), 0, VOCAB, dtype=jnp.int64)
    target = jax.random.randint(k2, (B, T), 0, VOCAB, dtype=jnp.int64)
    table = jax.random.normal(k3, (VOCAB, VOCAB), dtype=jnp.float32) * 0.02
    return {"index": index, "target": target, "table": table}


def reference(index, target, table):
    # logits = self.table(index)
    logits = jnp.take(table, index, axis=0)  # [B, T, V]
    batch_size, block_size, vocab_size = logits.shape
    logits2 = logits.reshape(batch_size * block_size, vocab_size)
    targets = target.reshape(batch_size * block_size)
    # torch F.cross_entropy with mean reduction
    logp = jax.nn.log_softmax(logits2, axis=-1)
    nll = -jnp.take_along_axis(logp, targets[:, None], axis=1)[:, 0]
    loss = jnp.mean(nll)
    return (logits2, loss)

if __name__ == "__main__":
    import jax
    _d = setup_inputs()
    print(jax.jit(kernel)(*tuple(_d.values())))

</pallas_src>

<mosaic_0001>
#map = affine_map<(d0, d1) -> (0, 0, 0)>
#map1 = affine_map<(d0, d1) -> (0, 0)>
module attributes {stable_mosaic.version = 14 : i64} {
  func.func @_sc_gather_body(%arg0: i32, %arg1: i32, %arg2: memref<32x128x2xi32, #tpu.memory_space<hbm>>, %arg3: memref<32x2x128xi32, #tpu.memory_space<hbm>>, %arg4: memref<8192x8192xf32, #tpu.memory_space<hbm>>, %arg5: memref<8192x8192xf32, #tpu.memory_space<hbm>>, %arg6: memref<32x16xf32, #tpu.memory_space<hbm>>, %arg7: memref<32x256xf32, #tpu.memory_space<hbm>>, %arg8: memref<128x2xi32, #tpu.memory_space<vmem>>, %arg9: memref<2x128xi32, #tpu.memory_space<vmem>>, %arg10: memref<16xf32, #tpu.memory_space<vmem>>, %arg11: memref<16xf32, #tpu.memory_space<vmem>>, %arg12: memref<256xf32, #tpu.memory_space<vmem>>, %arg13: memref<2x8192xf32, #tpu.memory_space<vmem>>, %arg14: memref<2x8192xf32, #tpu.memory_space<vmem>>, %arg15: memref<2x8192xf32, #tpu.memory_space<vmem>>, %arg16: memref<2x8192xf32, #tpu.memory_space<vmem>>, %arg17: memref<!tpu.dma_semaphore, #tpu.memory_space<semaphore_mem>>, %arg18: memref<!tpu.dma_semaphore, #tpu.memory_space<semaphore_mem>>, %arg19: memref<!tpu.dma_semaphore, #tpu.memory_space<semaphore_mem>>, %arg20: memref<!tpu.dma_semaphore, #tpu.memory_space<semaphore_mem>>, %arg21: memref<!tpu.dma_semaphore, #tpu.memory_space<semaphore_mem>>, %arg22: memref<!tpu.dma_semaphore, #tpu.memory_space<semaphore_mem>>, %arg23: memref<!tpu.dma_semaphore, #tpu.memory_space<semaphore_mem>>, %arg24: memref<!tpu.dma_semaphore, #tpu.memory_space<semaphore_mem>>) attributes {dimension_semantics = [#tpu.dimension_semantics<core_parallel>, #tpu.dimension_semantics<subcore_parallel>], iteration_bounds = array<i64: 2, 16>, scalar_prefetch = 0 : i64, scratch_operands = 17 : i64, tpu.core_type = #tpu.core_type<sc_vector_subcore>, window_params = [{transform_indices = #map}, {transform_indices = #map}, {transform_indices = #map1}, {transform_indices = #map1}, {transform_indices = #map1}, {transform_indices = #map1}]} {
    %mul3A = arith.constant 2 : i32
    %mul3A_0 = arith.muli %arg1, %mul3A : i32
    %add3A = arith.addi %mul3A_0, %arg0 : i32
    %mul3A_1 = arith.constant 256 : i32
    %mul3A_2 = arith.muli %add3A, %mul3A_1 : i32
    "tpu.region"() ({
      %run_scoped3A = tpu.sem_alloc : memref<!tpu.dma_semaphore, #tpu.memory_space<semaphore_mem>>
      %dma_start3A_49 = arith.constant 0 : i32
      %dma_start3A_50 = arith.constant 0 : i32
      %dma_start3A_51 = tpu.memref_slice %arg2[%add3A, %dma_start3A_49, %dma_start3A_50] : memref<32x128x2xi32, #tpu.memory_space<hbm>> -> memref<1x128x2xi32, #tpu.memory_space<hbm>>
      %dma_start3A_52 = tpu.memref_squeeze %dma_start3A_51 : memref<1x128x2xi32, #tpu.memory_space<hbm>> -> memref<128x2xi32, #tpu.memory_space<hbm>>
      %dma_start3A_53 = arith.constant 0 : i32
      %dma_start3A_54 = arith.constant 0 : i32
      %dma_start3A_55 = tpu.memref_slice %arg2[%add3A, %dma_start3A_53, %dma_start3A_54] : memref<32x128x2xi32, #tpu.memory_space<hbm>> -> memref<1x128x2xi32, #tpu.memory_space<hbm>>
      %dma_start3A_56 = tpu.memref_squeeze %dma_start3A_55 : memref<1x128x2xi32, #tpu.memory_space<hbm>> -> memref<128x2xi32, #tpu.memory_space<hbm>>
      tpu.enqueue_dma source(%dma_start3A_56 : memref<128x2xi32, #tpu.memory_space<hbm>>) target(%arg8 : memref<128x2xi32, #tpu.memory_space<vmem>>) target_semaphore(%run_scoped3A : memref<!tpu.dma_semaphore, #tpu.memory_space<semaphore_mem>>)
      %dma_wait3A_57 = arith.constant 0 : i32
      %dma_wait3A_58 = arith.constant 0 : i32
      %dma_wait3A_59 = tpu.memref_slice %arg2[%add3A, %dma_wait3A_57, %dma_wait3A_58] : memref<32x128x2xi32, #tpu.memory_space<hbm>> -> memref<1x128x2xi32, #tpu.memory_space<hbm>>
      %dma_wait3A_60 = tpu.memref_squeeze %dma_wait3A_59 : memref<1x128x2xi32, #tpu.memory_space<hbm>> -> memref<128x2xi32, #tpu.memory_space<hbm>>
      %dma_wait3A_61 = arith.constant 0 : i32
      %dma_wait3A_62 = arith.constant 0 : i32
      %dma_wait3A_63 = tpu.memref_slice %arg2[%add3A, %dma_wait3A_61, %dma_wait3A_62] : memref<32x128x2xi32, #tpu.memory_space<hbm>> -> memref<1x128x2xi32, #tpu.memory_space<hbm>>
      %dma_wait3A_64 = tpu.memref_squeeze %dma_wait3A_63 : memref<1x128x2xi32, #tpu.memory_space<hbm>> -> memref<128x2xi32, #tpu.memory_space<hbm>>
      tpu.wait_dma2 semaphore(%run_scoped3A : memref<!tpu.dma_semaphore, #tpu.memory_space<semaphore_mem>>) src(%dma_wait3A_64 : memref<128x2xi32, #tpu.memory_space<hbm>>) dst(%arg8 : memref<128x2xi32, #tpu.memory_space<vmem>>)
      tpu.yield
    }) : () -> ()
    "tpu.region"() ({
      %run_scoped3A = tpu.sem_alloc : memref<!tpu.dma_semaphore, #tpu.memory_space<semaphore_mem>>
      %dma_start3A_49 = arith.constant 0 : i32
      %dma_start3A_50 = arith.constant 0 : i32
      %dma_start3A_51 = tpu.memref_slice %arg3[%add3A, %dma_start3A_49, %dma_start3A_50] : memref<32x2x128xi32, #tpu.memory_space<hbm>> -> memref<1x2x128xi32, #tpu.memory_space<hbm>>
      %dma_start3A_52 = tpu.memref_squeeze %dma_start3A_51 : memref<1x2x128xi32, #tpu.memory_space<hbm>> -> memref<2x128xi32, #tpu.memory_space<hbm>>
      %dma_start3A_53 = arith.constant 0 : i32
      %dma_start3A_54 = arith.constant 0 : i32
      %dma_start3A_55 = tpu.memref_slice %arg3[%add3A, %dma_start3A_53, %dma_start3A_54] : memref<32x2x128xi32, #tpu.memory_space<hbm>> -> memref<1x2x128xi32, #tpu.memory_space<hbm>>
      %dma_start3A_56 = tpu.memref_squeeze %dma_start3A_55 : memref<1x2x128xi32, #tpu.memory_space<hbm>> -> memref<2x128xi32, #tpu.memory_space<hbm>>
      tpu.enqueue_dma source(%dma_start3A_56 : memref<2x128xi32, #tpu.memory_space<hbm>>) target(%arg9 : memref<2x128xi32, #tpu.memory_space<vmem>>) target_semaphore(%run_scoped3A : memref<!tpu.dma_semaphore, #tpu.memory_space<semaphore_mem>>)
      %dma_wait3A_57 = arith.constant 0 : i32
      %dma_wait3A_58 = arith.constant 0 : i32
      %dma_wait3A_59 = tpu.memref_slice %arg3[%add3A, %dma_wait3A_57, %dma_wait3A_58] : memref<32x2x128xi32, #tpu.memory_space<hbm>> -> memref<1x2x128xi32, #tpu.memory_space<hbm>>
      %dma_wait3A_60 = tpu.memref_squeeze %dma_wait3A_59 : memref<1x2x128xi32, #tpu.memory_space<hbm>> -> memref<2x128xi32, #tpu.memory_space<hbm>>
      %dma_wait3A_61 = arith.constant 0 : i32
      %dma_wait3A_62 = arith.constant 0 : i32
      %dma_wait3A_63 = tpu.memref_slice %arg3[%add3A, %dma_wait3A_61, %dma_wait3A_62] : memref<32x2x128xi32, #tpu.memory_space<hbm>> -> memref<1x2x128xi32, #tpu.memory_space<hbm>>
      %dma_wait3A_64 = tpu.memref_squeeze %dma_wait3A_63 : memref<1x2x128xi32, #tpu.memory_space<hbm>> -> memref<2x128xi32, #tpu.memory_space<hbm>>
      tpu.wait_dma2 semaphore(%run_scoped3A : memref<!tpu.dma_semaphore, #tpu.memory_space<semaphore_mem>>) src(%dma_wait3A_64 : memref<2x128xi32, #tpu.memory_space<hbm>>) dst(%arg9 : memref<2x128xi32, #tpu.memory_space<vmem>>)
      tpu.yield
    }) : () -> ()
    %broadcast_in_dim3A = arith.constant 0.000000e+00 : f32
    %broadcast_in_dim3A_3 = vector.broadcast %broadcast_in_dim3A : f32 to vector<16xf32>
    %swap3A = arith.constant 0 : index
    %swap3A_4 = tpu.vector_load %arg10[%swap3A] {strides = array<i32>} : memref<16xf32, #tpu.memory_space<vmem>>, vector<16xf32>,
    tpu.vector_store %arg10[%swap3A], %broadcast_in_dim3A_3 {strides = array<i32>} : memref<16xf32, #tpu.memory_space<vmem>>, vector<16xf32>,
    %iota3A = tpu.iota {dimensions = array<i32: 0>} : vector<16xi32>
    %min3A = arith.constant 1 : i32
    %min3A_5 = vector.broadcast %min3A : i32 to vector<16xi32>
    %min3A_6 = arith.minsi %iota3A, %min3A_5 : vector<16xi32>
    %lt3A = arith.constant 2 : i32
    %lt3A_7 = vector.broadcast %lt3A : i32 to vector<16xi32>
    %lt3A_8 = arith.cmpi slt, %iota3A, %lt3A_7 : vector<16xi32>
    %dma_start3A = arith.constant 0 : i32
    %dma_start3A_9 = arith.constant 0 : i32
    %dma_start3A_10 = tpu.memref_slice %arg8[%dma_start3A, %dma_start3A_9] : memref<128x2xi32, #tpu.memory_space<vmem>> -> memref<1x2xi32, #tpu.memory_space<vmem>>
    %dma_start3A_11 = tpu.memref_squeeze %dma_start3A_10 : memref<1x2xi32, #tpu.memory_space<vmem>> -> memref<2xi32, #tpu.memory_space<vmem>>
    %dma_start3A_12 = arith.constant 0 : i32
    %dma_start3A_13 = arith.constant 0 : i32
    %dma_start3A_14 = tpu.memref_slice %arg4[%dma_start3A_12, %dma_start3A_13] : memref<8192x8192xf32, #tpu.memory_space<hbm>> -> memref<8192x8192xf32, #tpu.memory_space<hbm>>
    tpu.enqueue_indirect_dma source(%dma_start3A_14 : memref<8192x8192xf32, #tpu.memory_space<hbm>>) target(%arg13 : memref<2x8192xf32, #tpu.memory_space<vmem>>) offsets(%dma_start3A_11 : memref<2xi32, #tpu.memory_space<vmem>>) semaphore(%arg17 : memref<!tpu.dma_semaphore, #tpu.memory_space<semaphore_mem>>)
    %dma_start3A_15 = arith.constant 1 : i32
    %dma_start3A_16 = arith.constant 0 : i32
    %dma_start3A_17 = tpu.memref_slice %arg8[%dma_start3A_15, %dma_start3A_16] : memref<128x2xi32, #tpu.memory_space<vmem>> -> memref<1x2xi32, #tpu.memory_space<vmem>>
    %dma_start3A_18 = tpu.memref_squeeze %dma_start3A_17 : memref<1x2xi32, #tpu.memory_space<vmem>> -> memref<2xi32, #tpu.memory_space<vmem>>
    %dma_start3A_19 = arith.constant 0 : i32
    %dma_start3A_20 = arith.constant 0 : i32
    %dma_start3A_21 = tpu.memref_slice %arg4[%dma_start3A_19, %dma_start3A_20] : memref<8192x8192xf32, #tpu.memory_space<hbm>> -> memref<8192x8192xf32, #tpu.memory_space<hbm>>
    tpu.enqueue_indirect_dma source(%dma_start3A_21 : memref<8192x8192xf32, #tpu.memory_space<hbm>>) target(%arg14 : memref<2x8192xf32, #tpu.memory_space<vmem>>) offsets(%dma_start3A_18 : memref<2xi32, #tpu.memory_space<vmem>>) semaphore(%arg18 : memref<!tpu.dma_semaphore, #tpu.memory_space<semaphore_mem>>)
    %scan3A = arith.constant 0 : i32
    %scan3A_22 = arith.constant 32 : i32
    %scan3A_23 = arith.addi %scan3A, %scan3A_22 : i32
    %scan3A_24 = arith.constant 1 : i32
    scf.for %scan3A_49 = %scan3A to %scan3A_23 step %scan3A_24  : i32 {
      %mul3A_50 = arith.constant 4 : i32
      %mul3A_51 = arith.muli %scan3A_49, %mul3A_50 : i32
      %add3A_52 = arith.constant 0 : i32
      %add3A_53 = arith.addi %add3A_52, %mul3A_51 : i32
      %add3A_54 = arith.constant 0 : i32
      %add3A_55 = arith.addi %add3A_53, %add3A_54 : i32
      %dma_wait3A_56 = arith.constant 0 : i32
      %dma_wait3A_57 = tpu.memref_slice %arg8[%add3A_55, %dma_wait3A_56] : memref<128x2xi32, #tpu.memory_space<vmem>> -> memref<1x2xi32, #tpu.memory_space<vmem>>
      %dma_wait3A_58 = tpu.memref_squeeze %dma_wait3A_57 : memref<1x2xi32, #tpu.memory_space<vmem>> -> memref<2xi32, #tpu.memory_space<vmem>>
      %dma_wait3A_59 = arith.constant 0 : i32
      %dma_wait3A_60 = arith.constant 0 : i32
      %dma_wait3A_61 = tpu.memref_slice %arg4[%dma_wait3A_59, %dma_wait3A_60] : memref<8192x8192xf32, #tpu.memory_space<hbm>> -> memref<8192x8192xf32, #tpu.memory_space<hbm>>
      tpu.wait_indirect_dma semaphore(%arg17 : memref<!tpu.dma_semaphore, #tpu.memory_space<semaphore_mem>>) src(%dma_wait3A_61 : memref<8192x8192xf32, #tpu.memory_space<hbm>>) dst(%arg13 : memref<2x8192xf32, #tpu.memory_space<vmem>>)
      %mul3A_62 = arith.constant 2 : i32
      %mul3A_63 = arith.muli %add3A_55, %mul3A_62 : i32
      %add3A_64 = arith.addi %mul3A_2, %mul3A_63 : i32
      %dma_start3A_65 = arith.constant 0 : i32
      %dma_start3A_66 = tpu.memref_slice %arg5[%add3A_64, %dma_start3A_65] : memref<8192x8192xf32, #tpu.memory_space<hbm>> -> memref<2x8192xf32, #tpu.memory_space<hbm>>
      %dma_start3A_67 = arith.constant 0 : i32
      %dma_start3A_68 = tpu.memref_slice %arg5[%add3A_64, %dma_start3A_67] : memref<8192x8192xf32, #tpu.memory_space<hbm>> -> memref<2x8192xf32, #tpu.memory_space<hbm>>
      tpu.enqueue_dma source(%arg13 : memref<2x8192xf32, #tpu.memory_space<vmem>>) target(%dma_start3A_68 : memref<2x8192xf32, #tpu.memory_space<hbm>>) target_semaphore(%arg21 : memref<!tpu.dma_semaphore, #tpu.memory_space<semaphore_mem>>)
      %add3A_69 = arith.constant 2 : i32
      %add3A_70 = arith.addi %add3A_55, %add3A_69 : i32
      %lt3A_71 = arith.constant 128 : i32
      %lt3A_72 = arith.cmpi slt, %add3A_70, %lt3A_71 : i32
      %convert_element_type3A = arith.extui %lt3A_72 : i1 to i32
      %cond3A = arith.constant 0 : i32
      %cond3A_73 = arith.cmpi ne, %convert_element_type3A, %cond3A : i32
      scf.if %cond3A_73 {
        %ge3A = arith.constant 2 : i32
        %ge3A_479 = arith.cmpi sge, %add3A_55, %ge3A : i32
        %convert_element_type3A_480 = arith.extui %ge3A_479 : i1 to i32
        %cond3A_481 = arith.constant 0 : i32
        %cond3A_482 = arith.cmpi ne, %convert_element_type3A_480, %cond3A_481 : i32
        scf.if %cond3A_482 {
          %sub3A_489 = arith.constant 2 : i32
          %sub3A_490 = arith.subi %add3A_55, %sub3A_489 : i32
          %mul3A_491 = arith.constant 2 : i32
          %mul3A_492 = arith.muli %sub3A_490, %mul3A_491 : i32
          %add3A_493 = arith.addi %mul3A_2, %mul3A_492 : i32
          %dma_wait3A_494 = arith.constant 0 : i32
          %dma_wait3A_495 = tpu.memref_slice %arg5[%add3A_493, %dma_wait3A_494] : memref<8192x8192xf32, #tpu.memory_space<hbm>> -> memref<2x8192xf32, #tpu.memory_space<hbm>>
          %dma_wait3A_496 = arith.constant 0 : i32
          %dma_wait3A_497 = tpu.memref_slice %arg5[%add3A_493, %dma_wait3A_496] : memref<8192x8192xf32, #tpu.memory_space<hbm>> -> memref<2x8192xf32, #tpu.memory_space<hbm>>
          tpu.wait_dma2 semaphore(%arg23 : memref<!tpu.dma_semaphore, #tpu.memory_space<semaphore_mem>>) src(%arg15 : memref<2x8192xf32, #tpu.memory_space<vmem>>) dst(%dma_wait3A_497 : memref<2x8192xf32, #tpu.memory_space<hbm>>)
        } else {
        }
        %dma_start3A_483 = arith.constant 0 : i32
        %dma_start3A_484 = tpu.memref_slice %arg8[%add3A_70, %dma_start3A_483] : memref<128x2xi32, #tpu.memory_space<vmem>> -> memref<1x2xi32, #tpu.memory_space<vmem>>
        %dma_start3A_485 = tpu.memref_squeeze %dma_start3A_484 : memref<1x2xi32, #tpu.memory_space<vmem>> -> memref<2xi32, #tpu.memory_space<vmem>>
        %dma_start3A_486 = arith.constant 0 : i32
        %dma_start3A_487 = arith.constant 0 : i32
        %dma_start3A_488 = tpu.memref_slice %arg4[%dma_start3A_486, %dma_start3A_487] : memref<8192x8192xf32, #tpu.memory_space<hbm>> -> memref<8192x8192xf32, #tpu.memory_space<hbm>>
        tpu.enqueue_indirect_dma source(%dma_start3A_488 : memref<8192x8192xf32, #tpu.memory_space<hbm>>) target(%arg15 : memref<2x8192xf32, #tpu.memory_space<vmem>>) offsets(%dma_start3A_485 : memref<2xi32, #tpu.memory_space<vmem>>) semaphore(%arg19 : memref<!tpu.dma_semaphore, #tpu.memory_space<semaphore_mem>>)
      } else {
      }
      %mul3A_74 = arith.constant 2 : i32
      %mul3A_75 = arith.muli %add3A_55, %mul3A_74 : i32
      %add3A_76 = vector.broadcast %mul3A_75 : i32 to vector<16xi32>
      %add3A_77 = arith.addi %add3A_76, %iota3A : vector<16xi32>
      %mul3A_78 = arith.constant 2 : i32
      %mul3A_79 = arith.muli %add3A_55, %mul3A_78 : i32
      %add3A_80 = arith.constant 2 : i32
      %add3A_81 = arith.addi %mul3A_79, %add3A_80 : i32
      %sub3A = arith.constant 1 : i32
      %sub3A_82 = arith.subi %add3A_81, %sub3A : i32
      %min3A_83 = vector.broadcast %sub3A_82 : i32 to vector<16xi32>
      %min3A_84 = arith.minsi %add3A_77, %min3A_83 : vector<16xi32>
      %shift_right_arithmetic3A = arith.constant 7 : i32
      %shift_right_arithmetic3A_85 = vector.broadcast %shift_right_arithmetic3A : i32 to vector<16xi32>
      %shift_right_arithmetic3A_86 = arith.shrsi %min3A_84, %shift_right_arithmetic3A_85 : vector<16xi32>
      %and3A = arith.constant 127 : i32
      %and3A_87 = vector.broadcast %and3A : i32 to vector<16xi32>
      %and3A_88 = arith.andi %min3A_84, %and3A_87 : vector<16xi32>
      %gather3A = tpu.vector_load_idx %arg9[%shift_right_arithmetic3A_86, %and3A_88] : memref<2x128xi32, #tpu.memory_space<vmem>>[vector<16xi32>, vector<16xi32>], vector<16xi32>,
      %gather3A_89 = tpu.vector_load_idx %arg13[%min3A_6, %gather3A] : memref<2x8192xf32, #tpu.memory_space<vmem>>[vector<16xi32>, vector<16xi32>], vector<16xf32>,
      %jit3A = arith.constant 0.000000e+00 : f32
      %broadcast_in_dim3A_90 = vector.broadcast %jit3A : f32 to vector<16xf32>
      %select_n3A = arith.select %lt3A_8, %gather3A_89, %broadcast_in_dim3A_90 : vector<16xi1>, vector<16xf32>
      %swap3A_91 = arith.constant 0 : index
      %swap3A_92 = tpu.vector_load %arg10[%swap3A_91] {strides = array<i32>} : memref<16xf32, #tpu.memory_space<vmem>>, vector<16xf32>,
      tpu.vector_store %arg10[%swap3A_91], %select_n3A {add = true, strides = array<i32>} : memref<16xf32, #tpu.memory_space<vmem>>, vector<16xf32>,
      %mul3A_93 = arith.constant 2 : i32
      %mul3A_94 = arith.muli %add3A_55, %mul3A_93 : i32
      %add3A_95 = arith.constant 0 : i32
      %add3A_96 = arith.addi %mul3A_94, %add3A_95 : i32
      %broadcast_in_dim3A_97 = arith.constant 0.000000e+00 : f32
      %broadcast_in_dim3A_98 = vector.broadcast %broadcast_in_dim3A_97 : f32 to vector<16xf32>
      %scan3A_99 = arith.constant 0 : i32
      %scan3A_100 = arith.constant 512 : i32
      %scan3A_101 = arith.addi %scan3A_99, %scan3A_100 : i32
      %scan3A_102 = arith.constant 8 : i32
      %scan3A_103 = scf.for %scan3A_479 = %scan3A_99 to %scan3A_101 step %scan3A_102 iter_args(%scan3A_480 = %broadcast_in_dim3A_98) -> (vector<16xf32>)  : i32 {
        %mul3A_481 = arith.constant 1 : i32
        %mul3A_482 = arith.muli %scan3A_479, %mul3A_481 : i32
        %add3A_483 = arith.constant 0 : i32
        %add3A_484 = arith.addi %add3A_483, %mul3A_482 : i32
        %mul3A_485 = arith.constant 16 : i32
        %mul3A_486 = arith.muli %add3A_484, %mul3A_485 : i32
        %get3A_487 = arith.constant 0 : i32
        %get3A_488 = arith.index_cast %get3A_487 : i32 to index
        %get3A_489 = arith.index_cast %mul3A_486 : i32 to index
        %get3A_490 = tpu.vector_load %arg13[%get3A_488, %get3A_489] {strides = array<i32>} : memref<2x8192xf32, #tpu.memory_space<vmem>>, vector<16xf32>,
        %exp3A = math.exp %get3A_490 : vector<16xf32>
        %add3A_491 = arith.addf %scan3A_480, %exp3A : vector<16xf32>
        %scan3A_492 = arith.constant 1 : i32
        %scan3A_493 = arith.addi %scan3A_479, %scan3A_492 : i32
        %mul3A_494 = arith.constant 1 : i32
        %mul3A_495 = arith.muli %scan3A_493, %mul3A_494 : i32
        %add3A_496 = arith.constant 0 : i32
        %add3A_497 = arith.addi %add3A_496, %mul3A_495 : i32
        %mul3A_498 = arith.constant 16 : i32
        %mul3A_499 = arith.muli %add3A_497, %mul3A_498 : i32
        %get3A_500 = arith.constant 0 : i32
        %get3A_501 = arith.index_cast %get3A_500 : i32 to index
        %get3A_502 = arith.index_cast %mul3A_499 : i32 to index
        %get3A_503 = tpu.vector_load %arg13[%get3A_501, %get3A_502] {strides = array<i32>} : memref<2x8192xf32, #tpu.memory_space<vmem>>, vector<16xf32>,
        %exp3A_504 = math.exp %get3A_503 : vector<16xf32>
        %add3A_505 = arith.addf %add3A_491, %exp3A_504 : vector<16xf32>
        %scan3A_506 = arith.constant 2 : i32
        %scan3A_507 = arith.addi %scan3A_479, %scan3A_506 : i32
        %mul3A_508 = arith.constant 1 : i32
        %mul3A_509 = arith.muli %scan3A_507, %mul3A_508 : i32
        %add3A_510 = arith.constant 0 : i32
        %add3A_511 = arith.addi %add3A_510, %mul3A_509 : i32
        %mul3A_512 = arith.constant 16 : i32
        %mul3A_513 = arith.muli %add3A_511, %mul3A_512 : i32
        %get3A_514 = arith.constant 0 : i32
        %get3A_515 = arith.index_cast %get3A_514 : i32 to index
        %get3A_516 = arith.index_cast %mul3A_513 : i32 to index
        %get3A_517 = tpu.vector_load %arg13[%get3A_515, %get3A_516] {strides = array<i32>} : memref<2x8192xf32, #tpu.memory_space<vmem>>, vector<16xf32>,
        %exp3A_518 = math.exp %get3A_517 : vector<16xf32>
        %add3A_519 = arith.addf %add3A_505, %exp3A_518 : vector<16xf32>
        %scan3A_520 = arith.constant 3 : i32
        %scan3A_521 = arith.addi %scan3A_479, %scan3A_520 : i32
        %mul3A_522 = arith.constant 1 : i32
        %mul3A_523 = arith.muli %scan3A_521, %mul3A_522 : i32
        %add3A_524 = arith.constant 0 : i32
        %add3A_525 = arith.addi %add3A_524, %mul3A_523 : i32
        %mul3A_526 = arith.constant 16 : i32
        %mul3A_527 = arith.muli %add3A_525, %mul3A_526 : i32
        %get3A_528 = arith.constant 0 : i32
        %get3A_529 = arith.index_cast %get3A_528 : i32 to index
        %get3A_530 = arith.index_cast %mul3A_527 : i32 to index
        %get3A_531 = tpu.vector_load %arg13[%get3A_529, %get3A_530] {strides = array<i32>} : memref<2x8192xf32, #tpu.memory_space<vmem>>, vector<16xf32>,
        %exp3A_532 = math.exp %get3A_531 : vector<16xf32>
        %add3A_533 = arith.addf %add3A_519, %exp3A_532 : vector<16xf32>
        %scan3A_534 = arith.constant 4 : i32
        %scan3A_535 = arith.addi %scan3A_479, %scan3A_534 : i32
        %mul3A_536 = arith.constant 1 : i32
        %mul3A_537 = arith.muli %scan3A_535, %mul3A_536 : i32
        %add3A_538 = arith.constant 0 : i32
        %add3A_539 = arith.addi %add3A_538, %mul3A_537 : i32
        %mul3A_540 = arith.constant 16 : i32
        %mul3A_541 = arith.muli %add3A_539, %mul3A_540 : i32
        %get3A_542 = arith.constant 0 : i32
        %get3A_543 = arith.index_cast %get3A_542 : i32 to index
        %get3A_544 = arith.index_cast %mul3A_541 : i32 to index
        %get3A_545 = tpu.vector_load %arg13[%get3A_543, %get3A_544] {strides = array<i32>} : memref<2x8192xf32, #tpu.memory_space<vmem>>, vector<16xf32>,
        %exp3A_546 = math.exp %get3A_545 : vector<16xf32>
        %add3A_547 = arith.addf %add3A_533, %exp3A_546 : vector<16xf32>
        %scan3A_548 = arith.constant 5 : i32
        %scan3A_549 = arith.addi %scan3A_479, %scan3A_548 : i32
        %mul3A_550 = arith.constant 1 : i32
        %mul3A_551 = arith.muli %scan3A_549, %mul3A_550 : i32
        %add3A_552 = arith.constant 0 : i32
        %add3A_553 = arith.addi %add3A_552, %mul3A_551 : i32
        %mul3A_554 = arith.constant 16 : i32
        %mul3A_555 = arith.muli %add3A_553, %mul3A_554 : i32
        %get3A_556 = arith.constant 0 : i32
        %get3A_557 = arith.index_cast %get3A_556 : i32 to index
        %get3A_558 = arith.index_cast %mul3A_555 : i32 to index
        %get3A_559 = tpu.vector_load %arg13[%get3A_557, %get3A_558] {strides = array<i32>} : memref<2x8192xf32, #tpu.memory_space<vmem>>, vector<16xf32>,
        %exp3A_560 = math.exp %get3A_559 : vector<16xf32>
        %add3A_561 = arith.addf %add3A_547, %exp3A_560 : vector<16xf32>
        %scan3A_562 = arith.constant 6 : i32
        %scan3A_563 = arith.addi %scan3A_479, %scan3A_562 : i32
        %mul3A_564 = arith.constant 1 : i32
        %mul3A_565 = arith.muli %scan3A_563, %mul3A_564 : i32
        %add3A_566 = arith.constant 0 : i32
        %add3A_567 = arith.addi %add3A_566, %mul3A_565 : i32
        %mul3A_568 = arith.constant 16 : i32
        %mul3A_569 = arith.muli %add3A_567, %mul3A_568 : i32
        %get3A_570 = arith.constant 0 : i32
        %get3A_571 = arith.index_cast %get3A_570 : i32 to index
        %get3A_572 = arith.index_cast %mul3A_569 : i32 to index
        %get3A_573 = tpu.vector_load %arg13[%get3A_571, %get3A_572] {strides = array<i32>} : memref<2x8192xf32, #tpu.memory_space<vmem>>, vector<16xf32>,
        %exp3A_574 = math.exp %get3A_573 : vector<16xf32>
        %add3A_575 = arith.addf %add3A_561, %exp3A_574 : vector<16xf32>
        %scan3A_576 = arith.constant 7 : i32
        %scan3A_577 = arith.addi %scan3A_479, %scan3A_576 : i32
        %mul3A_578 = arith.constant 1 : i32
        %mul3A_579 = arith.muli %scan3A_577, %mul3A_578 : i32
        %add3A_580 = arith.constant 0 : i32
        %add3A_581 = arith.addi %add3A_580, %mul3A_579 : i32
        %mul3A_582 = arith.constant 16 : i32
        %mul3A_583 = arith.muli %add3A_581, %mul3A_582 : i32
        %get3A_584 = arith.constant 0 : i32
        %get3A_585 = arith.index_cast %get3A_584 : i32 to index
        %get3A_586 = arith.index_cast %mul3A_583 : i32 to index
        %get3A_587 = tpu.vector_load %arg13[%get3A_585, %get3A_586] {strides = array<i32>} : memref<2x8192xf32, #tpu.memory_space<vmem>>, vector<16xf32>,
        %exp3A_588 = math.exp %get3A_587 : vector<16xf32>
        %add3A_589 = arith.addf %add3A_575, %exp3A_588 : vector<16xf32>
        scf.yield %add3A_589 : vector<16xf32>
      }
      %scan3A_104 = arith.constant 512 : i32
      %reduce_sum3A = arith.constant true
      %reduce_sum3A_105 = vector.broadcast %reduce_sum3A : i1 to vector<16xi1>
      %reduce_sum3A_106 = tpu.scan <sum>, %scan3A_103 masked %reduce_sum3A_105 : vector<16xf32>, vector<16xi1> -> vector<16xf32>
      %reduce_sum3A_107 = vector.extract %reduce_sum3A_106[15] : f32 from vector<16xf32>
      %and3A_108 = arith.constant 15 : i32
      %and3A_109 = arith.andi %add3A_96, %and3A_108 : i32
      %eq3A = vector.broadcast %and3A_109 : i32 to vector<16xi32>
      %eq3A_110 = arith.cmpi eq, %iota3A, %eq3A : vector<16xi32>
      %get3A = arith.constant 0 : index
      %get3A_111 = tpu.vector_load %arg11[%get3A] {strides = array<i32>} : memref<16xf32, #tpu.memory_space<vmem>>, vector<16xf32>,
      %broadcast_in_dim3A_112 = vector.broadcast %reduce_sum3A_107 : f32 to vector<16xf32>
      %select_n3A_113 = arith.select %eq3A_110, %broadcast_in_dim3A_112, %get3A_111 : vector<16xi1>, vector<16xf32>
      %swap3A_114 = arith.constant 0 : index
      %swap3A_115 = tpu.vector_load %arg11[%swap3A_114] {strides = array<i32>} : memref<16xf32, #tpu.memory_space<vmem>>, vector<16xf32>,
      tpu.vector_store %arg11[%swap3A_114], %select_n3A_113 {strides = array<i32>} : memref<16xf32, #tpu.memory_space<vmem>>, vector<16xf32>,
      %eq3A_116 = arith.constant 15 : i32
      %eq3A_117 = arith.cmpi eq, %and3A_109, %eq3A_116 : i32
      %convert_element_type3A_118 = arith.extui %eq3A_117 : i1 to i32
      %cond3A_119 = arith.constant 0 : i32
      %cond3A_120 = arith.cmpi ne, %convert_element_type3A_118, %cond3A_119 : i32
      scf.if %cond3A_120 {
        %sub3A_479 = arith.constant 15 : i32
        %sub3A_480 = arith.subi %add3A_96, %sub3A_479 : i32
        %get3A_481 = arith.constant 0 : index
        %get3A_482 = tpu.vector_load %arg11[%get3A_481] {strides = array<i32>} : memref<16xf32, #tpu.memory_space<vmem>>, vector<16xf32>,
        %swap3A_483 = arith.index_cast %sub3A_480 : i32 to index
        %swap3A_484 = tpu.vector_load %arg12[%swap3A_483] {strides = array<i32>} : memref<256xf32, #tpu.memory_space<vmem>>, vector<16xf32>,
        tpu.vector_store %arg12[%swap3A_483], %get3A_482 {strides = array<i32>} : memref<256xf32, #tpu.memory_space<vmem>>, vector<16xf32>,
      } else {
      }
      %mul3A_121 = arith.constant 2 : i32
      %mul3A_122 = arith.muli %add3A_55, %mul3A_121 : i32
      %add3A_123 = arith.constant 1 : i32
      %add3A_124 = arith.addi %mul3A_122, %add3A_123 : i32
      %broadcast_in_dim3A_125 = arith.constant 0.000000e+00 : f32
      %broadcast_in_dim3A_126 = vector.broadcast %broadcast_in_dim3A_125 : f32 to vector<16xf32>
      %scan3A_127 = arith.constant 0 : i32
      %scan3A_128 = arith.constant 512 : i32
      %scan3A_129 = arith.addi %scan3A_127, %scan3A_128 : i32
      %scan3A_130 = arith.constant 8 : i32
      %scan3A_131 = scf.for %scan3A_479 = %scan3A_127 to %scan3A_129 step %scan3A_130 iter_args(%scan3A_480 = %broadcast_in_dim3A_126) -> (vector<16xf32>)  : i32 {
        %mul3A_481 = arith.constant 1 : i32
        %mul3A_482 = arith.muli %scan3A_479, %mul3A_481 : i32
        %add3A_483 = arith.constant 0 : i32
        %add3A_484 = arith.addi %add3A_483, %mul3A_482 : i32
        %mul3A_485 = arith.constant 16 : i32
        %mul3A_486 = arith.muli %add3A_484, %mul3A_485 : i32
        %get3A_487 = arith.constant 1 : i32
        %get3A_488 = arith.index_cast %get3A_487 : i32 to index
        %get3A_489 = arith.index_cast %mul3A_486 : i32 to index
        %get3A_490 = tpu.vector_load %arg13[%get3A_488, %get3A_489] {strides = array<i32>} : memref<2x8192xf32, #tpu.memory_space<vmem>>, vector<16xf32>,
        %exp3A = math.exp %get3A_490 : vector<16xf32>
        %add3A_491 = arith.addf %scan3A_480, %exp3A : vector<16xf32>
        %scan3A_492 = arith.constant 1 : i32
        %scan3A_493 = arith.addi %scan3A_479, %scan3A_492 : i32
        %mul3A_494 = arith.constant 1 : i32
        %mul3A_495 = arith.muli %scan3A_493, %mul3A_494 : i32
        %add3A_496 = arith.constant 0 : i32
        %add3A_497 = arith.addi %add3A_496, %mul3A_495 : i32
        %mul3A_498 = arith.constant 16 : i32
        %mul3A_499 = arith.muli %add3A_497, %mul3A_498 : i32
        %get3A_500 = arith.constant 1 : i32
        %get3A_501 = arith.index_cast %get3A_500 : i32 to index
        %get3A_502 = arith.index_cast %mul3A_499 : i32 to index
        %get3A_503 = tpu.vector_load %arg13[%get3A_501, %get3A_502] {strides = array<i32>} : memref<2x8192xf32, #tpu.memory_space<vmem>>, vector<16xf32>,
        %exp3A_504 = math.exp %get3A_503 : vector<16xf32>
        %add3A_505 = arith.addf %add3A_491, %exp3A_504 : vector<16xf32>
        %scan3A_506 = arith.constant 2 : i32
        %scan3A_507 = arith.addi %scan3A_479, %scan3A_506 : i32
        %mul3A_508 = arith.constant 1 : i32
        %mul3A_509 = arith.muli %scan3A_507, %mul3A_508 : i32
        %add3A_510 = arith.constant 0 : i32
        %add3A_511 = arith.addi %add3A_510, %mul3A_509 : i32
        %mul3A_512 = arith.constant 16 : i32
        %mul3A_513 = arith.muli %add3A_511, %mul3A_512 : i32
        %get3A_514 = arith.constant 1 : i32
        %get3A_515 = arith.index_cast %get3A_514 : i32 to index
        %get3A_516 = arith.index_cast %mul3A_513 : i32 to index
        %get3A_517 = tpu.vector_load %arg13[%get3A_515, %get3A_516] {strides = array<i32>} : memref<2x8192xf32, #tpu.memory_space<vmem>>, vector<16xf32>,
        %exp3A_518 = math.exp %get3A_517 : vector<16xf32>
        %add3A_519 = arith.addf %add3A_505, %exp3A_518 : vector<16xf32>
        %scan3A_520 = arith.constant 3 : i32
        %scan3A_521 = arith.addi %scan3A_479, %scan3A_520 : i32
        %mul3A_522 = arith.constant 1 : i32
        %mul3A_523 = arith.muli %scan3A_521, %mul3A_522 : i32
        %add3A_524 = arith.constant 0 : i32
        %add3A_525 = arith.addi %add3A_524, %mul3A_523 : i32
        %mul3A_526 = arith.constant 16 : i32
        %mul3A_527 = arith.muli %add3A_525, %mul3A_526 : i32
        %get3A_528 = arith.constant 1 : i32
        %get3A_529 = arith.index_cast %get3A_528 : i32 to index
        %get3A_530 = arith.index_cast %mul3A_527 : i32 to index
        %get3A_531 = tpu.vector_load %arg13[%get3A_529, %get3A_530] {strides = array<i32>} : memref<2x8192xf32, #tpu.memory_space<vmem>>, vector<16xf32>,
        %exp3A_532 = math.exp %get3A_531 : vector<16xf32>
        %add3A_533 = arith.addf %add3A_519, %exp3A_532 : vector<16xf32>
        %scan3A_534 = arith.constant 4 : i32
        %scan3A_535 = arith.addi %scan3A_479, %scan3A_534 : i32
        %mul3A_536 = arith.constant 1 : i32
        %mul3A_537 = arith.muli %scan3A_535, %mul3A_536 : i32
        %add3A_538 = arith.constant 0 : i32
        %add3A_539 = arith.addi %add3A_538, %mul3A_537 : i32
        %mul3A_540 = arith.constant 16 : i32
        %mul3A_541 = arith.muli %add3A_539, %mul3A_540 : i32
        %get3A_542 = arith.constant 1 : i32
        %get3A_543 = arith.index_cast %get3A_542 : i32 to index
        %get3A_544 = arith.index_cast %mul3A_541 : i32 to index
        %get3A_545 = tpu.vector_load %arg13[%get3A_543, %get3A_544] {strides = array<i32>} : memref<2x8192xf32, #tpu.memory_space<vmem>>, vector<16xf32>,
        %exp3A_546 = math.exp %get3A_545 : vector<16xf32>
        %add3A_547 = arith.addf %add3A_533, %exp3A_546 : vector<16xf32>
        %scan3A_548 = arith.constant 5 : i32
        %scan3A_549 = arith.addi %scan3A_479, %scan3A_548 : i32
        %mul3A_550 = arith.constant 1 : i32
        %mul3A_551 = arith.muli %scan3A_549, %mul3A_550 : i32
        %add3A_552 = arith.constant 0 : i32
        %add3A_553 = arith.addi %add3A_552, %mul3A_551 : i32
        %mul3A_554 = arith.constant 16 : i32
        %mul3A_555 = arith.muli %add3A_553, %mul3A_554 : i32
        %get3A_556 = arith.constant 1 : i32
        %get3A_557 = arith.index_cast %get3A_556 : i32 to index
        %get3A_558 = arith.index_cast %mul3A_555 : i32 to index
        %get3A_559 = tpu.vector_load %arg13[%get3A_557, %get3A_558] {strides = array<i32>} : memref<2x8192xf32, #tpu.memory_space<vmem>>, vector<16xf32>,
        %exp3A_560 = math.exp %get3A_559 : vector<16xf32>
        %add3A_561 = arith.addf %add3A_547, %exp3A_560 : vector<16xf32>
        %scan3A_562 = arith.constant 6 : i32
        %scan3A_563 = arith.addi %scan3A_479, %scan3A_562 : i32
        %mul3A_564 = arith.constant 1 : i32
        %mul3A_565 = arith.muli %scan3A_563, %mul3A_564 : i32
        %add3A_566 = arith.constant 0 : i32
        %add3A_567 = arith.addi %add3A_566, %mul3A_565 : i32
        %mul3A_568 = arith.constant 16 : i32
        %mul3A_569 = arith.muli %add3A_567, %mul3A_568 : i32
        %get3A_570 = arith.constant 1 : i32
        %get3A_571 = arith.index_cast %get3A_570 : i32 to index
        %get3A_572 = arith.index_cast %mul3A_569 : i32 to index
        %get3A_573 = tpu.vector_load %arg13[%get3A_571, %get3A_572] {strides = array<i32>} : memref<2x8192xf32, #tpu.memory_space<vmem>>, vector<16xf32>,
        %exp3A_574 = math.exp %get3A_573 : vector<16xf32>
        %add3A_575 = arith.addf %add3A_561, %exp3A_574 : vector<16xf32>
        %scan3A_576 = arith.constant 7 : i32
        %scan3A_577 = arith.addi %scan3A_479, %scan3A_576 : i32
        %mul3A_578 = arith.constant 1 : i32
        %mul3A_579 = arith.muli %scan3A_577, %mul3A_578 : i32
        %add3A_580 = arith.constant 0 : i32
        %add3A_581 = arith.addi %add3A_580, %mul3A_579 : i32
        %mul3A_582 = arith.constant 16 : i32
        %mul3A_583 = arith.muli %add3A_581, %mul3A_582 : i32
        %get3A_584 = arith.constant 1 : i32
        %get3A_585 = arith.index_cast %get3A_584 : i32 to index
        %get3A_586 = arith.index_cast %mul3A_583 : i32 to index
        %get3A_587 = tpu.vector_load %arg13[%get3A_585, %get3A_586] {strides = array<i32>} : memref<2x8192xf32, #tpu.memory_space<vmem>>, vector<16xf32>,
        %exp3A_588 = math.exp %get3A_587 : vector<16xf32>
        %add3A_589 = arith.addf %add3A_575, %exp3A_588 : vector<16xf32>
        scf.yield %add3A_589 : vector<16xf32>
      }
      %scan3A_132 = arith.constant 512 : i32
      %reduce_sum3A_133 = arith.constant true
      %reduce_sum3A_134 = vector.broadcast %reduce_sum3A_133 : i1 to vector<16xi1>
      %reduce_sum3A_135 = tpu.scan <sum>, %scan3A_131 masked %reduce_sum3A_134 : vector<16xf32>, vector<16xi1> -> vector<16xf32>
      %reduce_sum3A_136 = vector.extract %reduce_sum3A_135[15] : f32 from vector<16xf32>
      %and3A_137 = arith.constant 15 : i32
      %and3A_138 = arith.andi %add3A_124, %and3A_137 : i32
      %eq3A_139 = vector.broadcast %and3A_138 : i32 to vector<16xi32>
      %eq3A_140 = arith.cmpi eq, %iota3A, %eq3A_139 : vector<16xi32>
      %get3A_141 = arith.constant 0 : index
      %get3A_142 = tpu.vector_load %arg11[%get3A_141] {strides = array<i32>} : memref<16xf32, #tpu.memory_space<vmem>>, vector<16xf32>,
      %broadcast_in_dim3A_143 = vector.broadcast %reduce_sum3A_136 : f32 to vector<16xf32>
      %select_n3A_144 = arith.select %eq3A_140, %broadcast_in_dim3A_143, %get3A_142 : vector<16xi1>, vector<16xf32>
      %swap3A_145 = arith.constant 0 : index
      %swap3A_146 = tpu.vector_load %arg11[%swap3A_145] {strides = array<i32>} : memref<16xf32, #tpu.memory_space<vmem>>, vector<16xf32>,
      tpu.vector_store %arg11[%swap3A_145], %select_n3A_144 {strides = array<i32>} : memref<16xf32, #tpu.memory_space<vmem>>, vector<16xf32>,
      %eq3A_147 = arith.constant 15 : i32
      %eq3A_148 = arith.cmpi eq, %and3A_138, %eq3A_147 : i32
      %convert_element_type3A_149 = arith.extui %eq3A_148 : i1 to i32
      %cond3A_150 = arith.constant 0 : i32
      %cond3A_151 = arith.cmpi ne, %convert_element_type3A_149, %cond3A_150 : i32
      scf.if %cond3A_151 {
        %sub3A_479 = arith.constant 15 : i32
        %sub3A_480 = arith.subi %add3A_124, %sub3A_479 : i32
        %get3A_481 = arith.constant 0 : index
        %get3A_482 = tpu.vector_load %arg11[%get3A_481] {strides = array<i32>} : memref<16xf32, #tpu.memory_space<vmem>>, vector<16xf32>,
        %swap3A_483 = arith.index_cast %sub3A_480 : i32 to index
        %swap3A_484 = tpu.vector_load %arg12[%swap3A_483] {strides = array<i32>} : memref<256xf32, #tpu.memory_space<vmem>>, vector<16xf32>,
        tpu.vector_store %arg12[%swap3A_483], %get3A_482 {strides = array<i32>} : memref<256xf32, #tpu.memory_space<vmem>>, vector<16xf32>,
      } else {
      }
      %add3A_152 = arith.constant 1 : i32
      %add3A_153 = arith.addi %add3A_53, %add3A_152 : i32
      %dma_wait3A_154 = arith.constant 0 : i32
      %dma_wait3A_155 = tpu.memref_slice %arg8[%add3A_153, %dma_wait3A_154] : memref<128x2xi32, #tpu.memory_space<vmem>> -> memref<1x2xi32, #tpu.memory_space<vmem>>
      %dma_wait3A_156 = tpu.memref_squeeze %dma_wait3A_155 : memref<1x2xi32, #tpu.memory_space<vmem>> -> memref<2xi32, #tpu.memory_space<vmem>>
      %dma_wait3A_157 = arith.constant 0 : i32
      %dma_wait3A_158 = arith.constant 0 : i32
      %dma_wait3A_159 = tpu.memref_slice %arg4[%dma_wait3A_157, %dma_wait3A_158] : memref<8192x8192xf32, #tpu.memory_space<hbm>> -> memref<8192x8192xf32, #tpu.memory_space<hbm>>
      tpu.wait_indirect_dma semaphore(%arg18 : memref<!tpu.dma_semaphore, #tpu.memory_space<semaphore_mem>>) src(%dma_wait3A_159 : memref<8192x8192xf32, #tpu.memory_space<hbm>>) dst(%arg14 : memref<2x8192xf32, #tpu.memory_space<vmem>>)
      %mul3A_160 = arith.constant 2 : i32
      %mul3A_161 = arith.muli %add3A_153, %mul3A_160 : i32
      %add3A_162 = arith.addi %mul3A_2, %mul3A_161 : i32
      %dma_start3A_163 = arith.constant 0 : i32
      %dma_start3A_164 = tpu.memref_slice %arg5[%add3A_162, %dma_start3A_163] : memref<8192x8192xf32, #tpu.memory_space<hbm>> -> memref<2x8192xf32, #tpu.memory_space<hbm>>
      %dma_start3A_165 = arith.constant 0 : i32
      %dma_start3A_166 = tpu.memref_slice %arg5[%add3A_162, %dma_start3A_165] : memref<8192x8192xf32, #tpu.memory_space<hbm>> -> memref<2x8192xf32, #tpu.memory_space<hbm>>
      tpu.enqueue_dma source(%arg14 : memref<2x8192xf32, #tpu.memory_space<vmem>>) target(%dma_start3A_166 : memref<2x8192xf32, #tpu.memory_space<hbm>>) target_semaphore(%arg22 : memref<!tpu.dma_semaphore, #tpu.memory_space<semaphore_mem>>)
      %add3A_167 = arith.constant 2 : i32
      %add3A_168 = arith.addi %add3A_153, %add3A_167 : i32
      %lt3A_169 = arith.constant 128 : i32
      %lt3A_170 = arith.cmpi slt, %add3A_168, %lt3A_169 : i32
      %convert_element_type3A_171 = arith.extui %lt3A_170 : i1 to i32
      %cond3A_172 = arith.constant 0 : i32
      %cond3A_173 = arith.cmpi ne, %convert_element_type3A_171, %cond3A_172 : i32
      scf.if %cond3A_173 {
        %ge3A = arith.constant 2 : i32
        %ge3A_479 = arith.cmpi sge, %add3A_153, %ge3A : i32
        %convert_element_type3A_480 = arith.extui %ge3A_479 : i1 to i32
        %cond3A_481 = arith.constant 0 : i32
        %cond3A_482 = arith.cmpi ne, %convert_element_type3A_480, %cond3A_481 : i32
        scf.if %cond3A_482 {
          %sub3A_489 = arith.constant 2 : i32
          %sub3A_490 = arith.subi %add3A_153, %sub3A_489 : i32
          %mul3A_491 = arith.constant 2 : i32
          %mul3A_492 = arith.muli %sub3A_490, %mul3A_491 : i32
          %add3A_493 = arith.addi %mul3A_2, %mul3A_492 : i32
          %dma_wait3A_494 = arith.constant 0 : i32
          %dma_wait3A_495 = tpu.memref_slice %arg5[%add3A_493, %dma_wait3A_494] : memref<8192x8192xf32, #tpu.memory_space<hbm>> -> memref<2x8192xf32, #tpu.memory_space<hbm>>
          %dma_wait3A_496 = arith.constant 0 : i32
          %dma_wait3A_497 = tpu.memref_slice %arg5[%add3A_493, %dma_wait3A_496] : memref<8192x8192xf32, #tpu.memory_space<hbm>> -> memref<2x8192xf32, #tpu.memory_space<hbm>>
          tpu.wait_dma2 semaphore(%arg24 : memref<!tpu.dma_semaphore, #tpu.memory_space<semaphore_mem>>) src(%arg16 : memref<2x8192xf32, #tpu.memory_space<vmem>>) dst(%dma_wait3A_497 : memref<2x8192xf32, #tpu.memory_space<hbm>>)
        } else {
        }
        %dma_start3A_483 = arith.constant 0 : i32
        %dma_start3A_484 = tpu.memref_slice %arg8[%add3A_168, %dma_start3A_483] : memref<128x2xi32, #tpu.memory_space<vmem>> -> memref<1x2xi32, #tpu.memory_space<vmem>>
        %dma_start3A_485 = tpu.memref_squeeze %dma_start3A_484 : memref<1x2xi32, #tpu.memory_space<vmem>> -> memref<2xi32, #tpu.memory_space<vmem>>
        %dma_start3A_486 = arith.constant 0 : i32
        %dma_start3A_487 = arith.constant 0 : i32
        %dma_start3A_488 = tpu.memref_slice %arg4[%dma_start3A_486, %dma_start3A_487] : memref<8192x8192xf32, #tpu.memory_space<hbm>> -> memref<8192x8192xf32, #tpu.memory_space<hbm>>
        tpu.enqueue_indirect_dma source(%dma_start3A_488 : memref<8192x8192xf32, #tpu.memory_space<hbm>>) target(%arg16 : memref<2x8192xf32, #tpu.memory_space<vmem>>) offsets(%dma_start3A_485 : memref<2xi32, #tpu.memory_space<vmem>>) semaphore(%arg20 : memref<!tpu.dma_semaphore, #tpu.memory_space<semaphore_mem>>)
      } else {
      }
      %mul3A_174 = arith.constant 2 : i32
      %mul3A_175 = arith.muli %add3A_153, %mul3A_174 : i32
      %add3A_176 = vector.broadcast %mul3A_175 : i32 to vector<16xi32>
      %add3A_177 = arith.addi %add3A_176, %iota3A : vector<16xi32>
      %mul3A_178 = arith.constant 2 : i32
      %mul3A_179 = arith.muli %add3A_153, %mul3A_178 : i32
      %add3A_180 = arith.constant 2 : i32
      %add3A_181 = arith.addi %mul3A_179, %add3A_180 : i32
      %sub3A_182 = arith.constant 1 : i32
      %sub3A_183 = arith.subi %add3A_181, %sub3A_182 : i32
      %min3A_184 = vector.broadcast %sub3A_183 : i32 to vector<16xi32>
      %min3A_185 = arith.minsi %add3A_177, %min3A_184 : vector<16xi32>
      %shift_right_arithmetic3A_186 = arith.constant 7 : i32
      %shift_right_arithmetic3A_187 = vector.broadcast %shift_right_arithmetic3A_186 : i32 to vector<16xi32>
      %shift_right_arithmetic3A_188 = arith.shrsi %min3A_185, %shift_right_arithmetic3A_187 : vector<16xi32>
      %and3A_189 = arith.constant 127 : i32
      %and3A_190 = vector.broadcast %and3A_189 : i32 to vector<16xi32>
      %and3A_191 = arith.andi %min3A_185, %and3A_190 : vector<16xi32>
      %gather3A_192 = tpu.vector_load_idx %arg9[%shift_right_arithmetic3A_188, %and3A_191] : memref<2x128xi32, #tpu.memory_space<vmem>>[vector<16xi32>, vector<16xi32>], vector<16xi32>,
      %gather3A_193 = tpu.vector_load_idx %arg14[%min3A_6, %gather3A_192] : memref<2x8192xf32, #tpu.memory_space<vmem>>[vector<16xi32>, vector<16xi32>], vector<16xf32>,
      %jit3A_194 = arith.constant 0.000000e+00 : f32
      %broadcast_in_dim3A_195 = vector.broadcast %jit3A_194 : f32 to vector<16xf32>
      %select_n3A_196 = arith.select %lt3A_8, %gather3A_193, %broadcast_in_dim3A_195 : vector<16xi1>, vector<16xf32>
      %swap3A_197 = arith.constant 0 : index
      %swap3A_198 = tpu.vector_load %arg10[%swap3A_197] {strides = array<i32>} : memref<16xf32, #tpu.memory_space<vmem>>, vector<16xf32>,
      tpu.vector_store %arg10[%swap3A_197], %select_n3A_196 {add = true, strides = array<i32>} : memref<16xf32, #tpu.memory_space<vmem>>, vector<16xf32>,
      %mul3A_199 = arith.constant 2 : i32
      %mul3A_200 = arith.muli %add3A_153, %mul3A_199 : i32
      %add3A_201 = arith.constant 0 : i32
      %add3A_202 = arith.addi %mul3A_200, %add3A_201 : i32
      %broadcast_in_dim3A_203 = arith.constant 0.000000e+00 : f32
      %broadcast_in_dim3A_204 = vector.broadcast %broadcast_in_dim3A_203 : f32 to vector<16xf32>
      %scan3A_205 = arith.constant 0 : i32
      %scan3A_206 = arith.constant 512 : i32
      %scan3A_207 = arith.addi %scan3A_205, %scan3A_206 : i32
      %scan3A_208 = arith.constant 8 : i32
      %scan3A_209 = scf.for %scan3A_479 = %scan3A_205 to %scan3A_207 step %scan3A_208 iter_args(%scan3A_480 = %broadcast_in_dim3A_204) -> (vector<16xf32>)  : i32 {
        %mul3A_481 = arith.constant 1 : i32
        %mul3A_482 = arith.muli %scan3A_479, %mul3A_481 : i32
        %add3A_483 = arith.constant 0 : i32
        %add3A_484 = arith.addi %add3A_483, %mul3A_482 : i32
        %mul3A_485 = arith.constant 16 : i32
        %mul3A_486 = arith.muli %add3A_484, %mul3A_485 : i32
        %get3A_487 = arith.constant 0 : i32
        %get3A_488 = arith.index_cast %get3A_487 : i32 to index
        %get3A_489 = arith.index_cast %mul3A_486 : i32 to index
        %get3A_490 = tpu.vector_load %arg14[%get3A_488, %get3A_489] {strides = array<i32>} : memref<2x8192xf32, #tpu.memory_space<vmem>>, vector<16xf32>,
        %exp3A = math.exp %get3A_490 : vector<16xf32>
        %add3A_491 = arith.addf %scan3A_480, %exp3A : vector<16xf32>
        %scan3A_492 = arith.constant 1 : i32
        %scan3A_493 = arith.addi %scan3A_479, %scan3A_492 : i32
        %mul3A_494 = arith.constant 1 : i32
        %mul3A_495 = arith.muli %scan3A_493, %mul3A_494 : i32
        %add3A_496 = arith.constant 0 : i32
        %add3A_497 = arith.addi %add3A_496, %mul3A_495 : i32
        %mul3A_498 = arith.constant 16 : i32
        %mul3A_499 = arith.muli %add3A_497, %mul3A_498 : i32
        %get3A_500 = arith.constant 0 : i32
        %get3A_501 = arith.index_cast %get3A_500 : i32 to index
        %get3A_502 = arith.index_cast %mul3A_499 : i32 to index
        %get3A_503 = tpu.vector_load %arg14[%get3A_501, %get3A_502] {strides = array<i32>} : memref<2x8192xf32, #tpu.memory_space<vmem>>, vector<16xf32>,
        %exp3A_504 = math.exp %get3A_503 : vector<16xf32>
        %add3A_505 = arith.addf %add3A_491, %exp3A_504 : vector<16xf32>
        %scan3A_506 = arith.constant 2 : i32
        %scan3A_507 = arith.addi %scan3A_479, %scan3A_506 : i32
        %mul3A_508 = arith.constant 1 : i32
        %mul3A_509 = arith.muli %scan3A_507, %mul3A_508 : i32
        %add3A_510 = arith.constant 0 : i32
        %add3A_511 = arith.addi %add3A_510, %mul3A_509 : i32
        %mul3A_512 = arith.constant 16 : i32
        %mul3A_513 = arith.muli %add3A_511, %mul3A_512 : i32
        %get3A_514 = arith.constant 0 : i32
        %get3A_515 = arith.index_cast %get3A_514 : i32 to index
        %get3A_516 = arith.index_cast %mul3A_513 : i32 to index
        %get3A_517 = tpu.vector_load %arg14[%get3A_515, %get3A_516] {strides = array<i32>} : memref<2x8192xf32, #tpu.memory_space<vmem>>, vector<16xf32>,
        %exp3A_518 = math.exp %get3A_517 : vector<16xf32>
        %add3A_519 = arith.addf %add3A_505, %exp3A_518 : vector<16xf32>
        %scan3A_520 = arith.constant 3 : i32
        %scan3A_521 = arith.addi %scan3A_479, %scan3A_520 : i32
        %mul3A_522 = arith.constant 1 : i32
        %mul3A_523 = arith.muli %scan3A_521, %mul3A_522 : i32
        %add3A_524 = arith.constant 0 : i32
        %add3A_525 = arith.addi %add3A_524, %mul3A_523 : i32
        %mul3A_526 = arith.constant 16 : i32
        %mul3A_527 = arith.muli %add3A_525, %mul3A_526 : i32
        %get3A_528 = arith.constant 0 : i32
        %get3A_529 = arith.index_cast %get3A_528 : i32 to index
        %get3A_530 = arith.index_cast %mul3A_527 : i32 to index
        %get3A_531 = tpu.vector_load %arg14[%get3A_529, %get3A_530] {strides = array<i32>} : memref<2x8192xf32, #tpu.memory_space<vmem>>, vector<16xf32>,
        %exp3A_532 = math.exp %get3A_531 : vector<16xf32>
        %add3A_533 = arith.addf %add3A_519, %exp3A_532 : vector<16xf32>
        %scan3A_534 = arith.constant 4 : i32
        %scan3A_535 = arith.addi %scan3A_479, %scan3A_534 : i32
        %mul3A_536 = arith.constant 1 : i32
        %mul3A_537 = arith.muli %scan3A_535, %mul3A_536 : i32
        %add3A_538 = arith.constant 0 : i32
        %add3A_539 = arith.addi %add3A_538, %mul3A_537 : i32
        %mul3A_540 = arith.constant 16 : i32
        %mul3A_541 = arith.muli %add3A_539, %mul3A_540 : i32
        %get3A_542 = arith.constant 0 : i32
        %get3A_543 = arith.index_cast %get3A_542 : i32 to index
        %get3A_544 = arith.index_cast %mul3A_541 : i32 to index
        %get3A_545 = tpu.vector_load %arg14[%get3A_543, %get3A_544] {strides = array<i32>} : memref<2x8192xf32, #tpu.memory_space<vmem>>, vector<16xf32>,
        %exp3A_546 = math.exp %get3A_545 : vector<16xf32>
        %add3A_547 = arith.addf %add3A_533, %exp3A_546 : vector<16xf32>
        %scan3A_548 = arith.constant 5 : i32
        %scan3A_549 = arith.addi %scan3A_479, %scan3A_548 : i32
        %mul3A_550 = arith.constant 1 : i32
        %mul3A_551 = arith.muli %scan3A_549, %mul3A_550 : i32
        %add3A_552 = arith.constant 0 : i32
        %add3A_553 = arith.addi %add3A_552, %mul3A_551 : i32
        %mul3A_554 = arith.constant 16 : i32
        %mul3A_555 = arith.muli %add3A_553, %mul3A_554 : i32
        %get3A_556 = arith.constant 0 : i32
        %get3A_557 = arith.index_cast %get3A_556 : i32 to index
        %get3A_558 = arith.index_cast %mul3A_555 : i32 to index
        %get3A_559 = tpu.vector_load %arg14[%get3A_557, %get3A_558] {strides = array<i32>} : memref<2x8192xf32, #tpu.memory_space<vmem>>, vector<16xf32>,
        %exp3A_560 = math.exp %get3A_559 : vector<16xf32>
        %add3A_561 = arith.addf %add3A_547, %exp3A_560 : vector<16xf32>
        %scan3A_562 = arith.constant 6 : i32
        %scan3A_563 = arith.addi %scan3A_479, %scan3A_562 : i32
        %mul3A_564 = arith.constant 1 : i32
        %mul3A_565 = arith.muli %scan3A_563, %mul3A_564 : i32
        %add3A_566 = arith.constant 0 : i32
        %add3A_567 = arith.addi %add3A_566, %mul3A_565 : i32
        %mul3A_568 = arith.constant 16 : i32
        %mul3A_569 = arith.muli %add3A_567, %mul3A_568 : i32
        %get3A_570 = arith.constant 0 : i32
        %get3A_571 = arith.index_cast %get3A_570 : i32 to index
        %get3A_572 = arith.index_cast %mul3A_569 : i32 to index
        %get3A_573 = tpu.vector_load %arg14[%get3A_571, %get3A_572] {strides = array<i32>} : memref<2x8192xf32, #tpu.memory_space<vmem>>, vector<16xf32>,
        %exp3A_574 = math.exp %get3A_573 : vector<16xf32>
        %add3A_575 = arith.addf %add3A_561, %exp3A_574 : vector<16xf32>
        %scan3A_576 = arith.constant 7 : i32
        %scan3A_577 = arith.addi %scan3A_479, %scan3A_576 : i32
        %mul3A_578 = arith.constant 1 : i32
        %mul3A_579 = arith.muli %scan3A_577, %mul3A_578 : i32
        %add3A_580 = arith.constant 0 : i32
        %add3A_581 = arith.addi %add3A_580, %mul3A_579 : i32
        %mul3A_582 = arith.constant 16 : i32
        %mul3A_583 = arith.muli %add3A_581, %mul3A_582 : i32
        %get3A_584 = arith.constant 0 : i32
        %get3A_585 = arith.index_cast %get3A_584 : i32 to index
        %get3A_586 = arith.index_cast %mul3A_583 : i32 to index
        %get3A_587 = tpu.vector_load %arg14[%get3A_585, %get3A_586] {strides = array<i32>} : memref<2x8192xf32, #tpu.memory_space<vmem>>, vector<16xf32>,
        %exp3A_588 = math.exp %get3A_587 : vector<16xf32>
        %add3A_589 = arith.addf %add3A_575, %exp3A_588 : vector<16xf32>
        scf.yield %add3A_589 : vector<16xf32>
      }
      %scan3A_210 = arith.constant 512 : i32
      %reduce_sum3A_211 = arith.constant true
      %reduce_sum3A_212 = vector.broadcast %reduce_sum3A_211 : i1 to vector<16xi1>
      %reduce_sum3A_213 = tpu.scan <sum>, %scan3A_209 masked %reduce_sum3A_212 : vector<16xf32>, vector<16xi1> -> vector<16xf32>
      %reduce_sum3A_214 = vector.extract %reduce_sum3A_213[15] : f32 from vector<16xf32>
      %and3A_215 = arith.constant 15 : i32
      %and3A_216 = arith.andi %add3A_202, %and3A_215 : i32
      %eq3A_217 = vector.broadcast %and3A_216 : i32 to vector<16xi32>
      %eq3A_218 = arith.cmpi eq, %iota3A, %eq3A_217 : vector<16xi32>
      %get3A_219 = arith.constant 0 : index
      %get3A_220 = tpu.vector_load %arg11[%get3A_219] {strides = array<i32>} : memref<16xf32, #tpu.memory_space<vmem>>, vector<16xf32>,
      %broadcast_in_dim3A_221 = vector.broadcast %reduce_sum3A_214 : f32 to vector<16xf32>
      %select_n3A_222 = arith.select %eq3A_218, %broadcast_in_dim3A_221, %get3A_220 : vector<16xi1>, vector<16xf32>
      %swap3A_223 = arith.constant 0 : index
      %swap3A_224 = tpu.vector_load %arg11[%swap3A_223] {strides = array<i32>} : memref<16xf32, #tpu.memory_space<vmem>>, vector<16xf32>,
      tpu.vector_store %arg11[%swap3A_223], %select_n3A_222 {strides = array<i32>} : memref<16xf32, #tpu.memory_space<vmem>>, vector<16xf32>,
      %eq3A_225 = arith.constant 15 : i32
      %eq3A_226 = arith.cmpi eq, %and3A_216, %eq3A_225 : i32
      %convert_element_type3A_227 = arith.extui %eq3A_226 : i1 to i32
      %cond3A_228 = arith.constant 0 : i32
      %cond3A_229 = arith.cmpi ne, %convert_element_type3A_227, %cond3A_228 : i32
      scf.if %cond3A_229 {
        %sub3A_479 = arith.constant 15 : i32
        %sub3A_480 = arith.subi %add3A_202, %sub3A_479 : i32
        %get3A_481 = arith.constant 0 : index
        %get3A_482 = tpu.vector_load %arg11[%get3A_481] {strides = array<i32>} : memref<16xf32, #tpu.memory_space<vmem>>, vector<16xf32>,
        %swap3A_483 = arith.index_cast %sub3A_480 : i32 to index
        %swap3A_484 = tpu.vector_load %arg12[%swap3A_483] {strides = array<i32>} : memref<256xf32, #tpu.memory_space<vmem>>, vector<16xf32>,
        tpu.vector_store %arg12[%swap3A_483], %get3A_482 {strides = array<i32>} : memref<256xf32, #tpu.memory_space<vmem>>, vector<16xf32>,
      } else {
      }
      %mul3A_230 = arith.constant 2 : i32
      %mul3A_231 = arith.muli %add3A_153, %mul3A_230 : i32
      %add3A_232 = arith.constant 1 : i32
      %add3A_233 = arith.addi %mul3A_231, %add3A_232 : i32
      %broadcast_in_dim3A_234 = arith.constant 0.000000e+00 : f32
      %broadcast_in_dim3A_235 = vector.broadcast %broadcast_in_dim3A_234 : f32 to vector<16xf32>
      %scan3A_236 = arith.constant 0 : i32
      %scan3A_237 = arith.constant 512 : i32
      %scan3A_238 = arith.addi %scan3A_236, %scan3A_237 : i32
      %scan3A_239 = arith.constant 8 : i32
      %scan3A_240 = scf.for %scan3A_479 = %scan3A_236 to %scan3A_238 step %scan3A_239 iter_args(%scan3A_480 = %broadcast_in_dim3A_235) -> (vector<16xf32>)  : i32 {
        %mul3A_481 = arith.constant 1 : i32
        %mul3A_482 = arith.muli %scan3A_479, %mul3A_481 : i32
        %add3A_483 = arith.constant 0 : i32
        %add3A_484 = arith.addi %add3A_483, %mul3A_482 : i32
        %mul3A_485 = arith.constant 16 : i32
        %mul3A_486 = arith.muli %add3A_484, %mul3A_485 : i32
        %get3A_487 = arith.constant 1 : i32
        %get3A_488 = arith.index_cast %get3A_487 : i32 to index
        %get3A_489 = arith.index_cast %mul3A_486 : i32 to index
        %get3A_490 = tpu.vector_load %arg14[%get3A_488, %get3A_489] {strides = array<i32>} : memref<2x8192xf32, #tpu.memory_space<vmem>>, vector<16xf32>,
        %exp3A = math.exp %get3A_490 : vector<16xf32>
        %add3A_491 = arith.addf %scan3A_480, %exp3A : vector<16xf32>
        %scan3A_492 = arith.constant 1 : i32
        %scan3A_493 = arith.addi %scan3A_479, %scan3A_492 : i32
        %mul3A_494 = arith.constant 1 : i32
        %mul3A_495 = arith.muli %scan3A_493, %mul3A_494 : i32
        %add3A_496 = arith.constant 0 : i32
        %add3A_497 = arith.addi %add3A_496, %mul3A_495 : i32
        %mul3A_498 = arith.constant 16 : i32
        %mul3A_499 = arith.muli %add3A_497, %mul3A_498 : i32
        %get3A_500 = arith.constant 1 : i32
        %get3A_501 = arith.index_cast %get3A_500 : i32 to index
        %get3A_502 = arith.index_cast %mul3A_499 : i32 to index
        %get3A_503 = tpu.vector_load %arg14[%get3A_501, %get3A_502] {strides = array<i32>} : memref<2x8192xf32, #tpu.memory_space<vmem>>, vector<16xf32>,
        %exp3A_504 = math.exp %get3A_503 : vector<16xf32>
        %add3A_505 = arith.addf %add3A_491, %exp3A_504 : vector<16xf32>
        %scan3A_506 = arith.constant 2 : i32
        %scan3A_507 = arith.addi %scan3A_479, %scan3A_506 : i32
        %mul3A_508 = arith.constant 1 : i32
        %mul3A_509 = arith.muli %scan3A_507, %mul3A_508 : i32
        %add3A_510 = arith.constant 0 : i32
        %add3A_511 = arith.addi %add3A_510, %mul3A_509 : i32
        %mul3A_512 = arith.constant 16 : i32
        %mul3A_513 = arith.muli %add3A_511, %mul3A_512 : i32
        %get3A_514 = arith.constant 1 : i32
        %get3A_515 = arith.index_cast %get3A_514 : i32 to index
        %get3A_516 = arith.index_cast %mul3A_513 : i32 to index
        %get3A_517 = tpu.vector_load %arg14[%get3A_515, %get3A_516] {strides = array<i32>} : memref<2x8192xf32, #tpu.memory_space<vmem>>, vector<16xf32>,
        %exp3A_518 = math.exp %get3A_517 : vector<16xf32>
        %add3A_519 = arith.addf %add3A_505, %exp3A_518 : vector<16xf32>
        %scan3A_520 = arith.constant 3 : i32
        %scan3A_521 = arith.addi %scan3A_479, %scan3A_520 : i32
        %mul3A_522 = arith.constant 1 : i32
        %mul3A_523 = arith.muli %scan3A_521, %mul3A_522 : i32
        %add3A_524 = arith.constant 0 : i32
        %add3A_525 = arith.addi %add3A_524, %mul3A_523 : i32
        %mul3A_526 = arith.constant 16 : i32
        %mul3A_527 = arith.muli %add3A_525, %mul3A_526 : i32
        %get3A_528 = arith.constant 1 : i32
        %get3A_529 = arith.index_cast %get3A_528 : i32 to index
        %get3A_530 = arith.index_cast %mul3A_527 : i32 to index
        %get3A_531 = tpu.vector_load %arg14[%get3A_529, %get3A_530] {strides = array<i32>} : memref<2x8192xf32, #tpu.memory_space<vmem>>, vector<16xf32>,
        %exp3A_532 = math.exp %get3A_531 : vector<16xf32>
        %add3A_533 = arith.addf %add3A_519, %exp3A_532 : vector<16xf32>
        %scan3A_534 = arith.constant 4 : i32
        %scan3A_535 = arith.addi %scan3A_479, %scan3A_534 : i32
        %mul3A_536 = arith.constant 1 : i32
        %mul3A_537 = arith.muli %scan3A_535, %mul3A_536 : i32
        %add3A_538 = arith.constant 0 : i32
        %add3A_539 = arith.addi %add3A_538, %mul3A_537 : i32
        %mul3A_540 = arith.constant 16 : i32
        %mul3A_541 = arith.muli %add3A_539, %mul3A_540 : i32
        %get3A_542 = arith.constant 1 : i32
        %get3A_543 = arith.index_cast %get3A_542 : i32 to index
        %get3A_544 = arith.index_cast %mul3A_541 : i32 to index
        %get3A_545 = tpu.vector_load %arg14[%get3A_543, %get3A_544] {strides = array<i32>} : memref<2x8192xf32, #tpu.memory_space<vmem>>, vector<16xf32>,
        %exp3A_546 = math.exp %get3A_545 : vector<16xf32>
        %add3A_547 = arith.addf %add3A_533, %exp3A_546 : vector<16xf32>
        %scan3A_548 = arith.constant 5 : i32
        %scan3A_549 = arith.addi %scan3A_479, %scan3A_548 : i32
        %mul3A_550 = arith.constant 1 : i32
        %mul3A_551 = arith.muli %scan3A_549, %mul3A_550 : i32
        %add3A_552 = arith.constant 0 : i32
        %add3A_553 = arith.addi %add3A_552, %mul3A_551 : i32
        %mul3A_554 = arith.constant 16 : i32
        %mul3A_555 = arith.muli %add3A_553, %mul3A_554 : i32
        %get3A_556 = arith.constant 1 : i32
        %get3A_557 = arith.index_cast %get3A_556 : i32 to index
        %get3A_558 = arith.index_cast %mul3A_555 : i32 to index
        %get3A_559 = tpu.vector_load %arg14[%get3A_557, %get3A_558] {strides = array<i32>} : memref<2x8192xf32, #tpu.memory_space<vmem>>, vector<16xf32>,
        %exp3A_560 = math.exp %get3A_559 : vector<16xf32>
        %add3A_561 = arith.addf %add3A_547, %exp3A_560 : vector<16xf32>
        %scan3A_562 = arith.constant 6 : i32
        %scan3A_563 = arith.addi %scan3A_479, %scan3A_562 : i32
        %mul3A_564 = arith.constant 1 : i32
        %mul3A_565 = arith.muli %scan3A_563, %mul3A_564 : i32
        %add3A_566 = arith.constant 0 : i32
        %add3A_567 = arith.addi %add3A_566, %mul3A_565 : i32
        %mul3A_568 = arith.constant 16 : i32
        %mul3A_569 = arith.muli %add3A_567, %mul3A_568 : i32
        %get3A_570 = arith.constant 1 : i32
        %get3A_571 = arith.index_cast %get3A_570 : i32 to index
        %get3A_572 = arith.index_cast %mul3A_569 : i32 to index
        %get3A_573 = tpu.vector_load %arg14[%get3A_571, %get3A_572] {strides = array<i32>} : memref<2x8192xf32, #tpu.memory_space<vmem>>, vector<16xf32>,
        %exp3A_574 = math.exp %get3A_573 : vector<16xf32>
        %add3A_575 = arith.addf %add3A_561, %exp3A_574 : vector<16xf32>
        %scan3A_576 = arith.constant 7 : i32
        %scan3A_577 = arith.addi %scan3A_479, %scan3A_576 : i32
        %mul3A_578 = arith.constant 1 : i32
        %mul3A_579 = arith.muli %scan3A_577, %mul3A_578 : i32
        %add3A_580 = arith.constant 0 : i32
        %add3A_581 = arith.addi %add3A_580, %mul3A_579 : i32
        %mul3A_582 = arith.constant 16 : i32
        %mul3A_583 = arith.muli %add3A_581, %mul3A_582 : i32
        %get3A_584 = arith.constant 1 : i32
        %get3A_585 = arith.index_cast %get3A_584 : i32 to index
        %get3A_586 = arith.index_cast %mul3A_583 : i32 to index
        %get3A_587 = tpu.vector_load %arg14[%get3A_585, %get3A_586] {strides = array<i32>} : memref<2x8192xf32, #tpu.memory_space<vmem>>, vector<16xf32>,
        %exp3A_588 = math.exp %get3A_587 : vector<16xf32>
        %add3A_589 = arith.addf %add3A_575, %exp3A_588 : vector<16xf32>
        scf.yield %add3A_589 : vector<16xf32>
      }
      %scan3A_241 = arith.constant 512 : i32
      %reduce_sum3A_242 = arith.constant true
      %reduce_sum3A_243 = vector.broadcast %reduce_sum3A_242 : i1 to vector<16xi1>
      %reduce_sum3A_244 = tpu.scan <sum>, %scan3A_240 masked %reduce_sum3A_243 : vector<16xf32>, vector<16xi1> -> vector<16xf32>
      %reduce_sum3A_245 = vector.extract %reduce_sum3A_244[15] : f32 from vector<16xf32>
      %and3A_246 = arith.constant 15 : i32
      %and3A_247 = arith.andi %add3A_233, %and3A_246 : i32
      %eq3A_248 = vector.broadcast %and3A_247 : i32 to vector<16xi32>
      %eq3A_249 = arith.cmpi eq, %iota3A, %eq3A_248 : vector<16xi32>
      %get3A_250 = arith.constant 0 : index
      %get3A_251 = tpu.vector_load %arg11[%get3A_250] {strides = array<i32>} : memref<16xf32, #tpu.memory_space<vmem>>, vector<16xf32>,
      %broadcast_in_dim3A_252 = vector.broadcast %reduce_sum3A_245 : f32 to vector<16xf32>
      %select_n3A_253 = arith.select %eq3A_249, %broadcast_in_dim3A_252, %get3A_251 : vector<16xi1>, vector<16xf32>
      %swap3A_254 = arith.constant 0 : index
      %swap3A_255 = tpu.vector_load %arg11[%swap3A_254] {strides = array<i32>} : memref<16xf32, #tpu.memory_space<vmem>>, vector<16xf32>,
      tpu.vector_store %arg11[%swap3A_254], %select_n3A_253 {strides = array<i32>} : memref<16xf32, #tpu.memory_space<vmem>>, vector<16xf32>,
      %eq3A_256 = arith.constant 15 : i32
      %eq3A_257 = arith.cmpi eq, %and3A_247, %eq3A_256 : i32
      %convert_element_type3A_258 = arith.extui %eq3A_257 : i1 to i32
      %cond3A_259 = arith.constant 0 : i32
      %cond3A_260 = arith.cmpi ne, %convert_element_type3A_258, %cond3A_259 : i32
      scf.if %cond3A_260 {
        %sub3A_479 = arith.constant 15 : i32
        %sub3A_480 = arith.subi %add3A_233, %sub3A_479 : i32
        %get3A_481 = arith.constant 0 : index
        %get3A_482 = tpu.vector_load %arg11[%get3A_481] {strides = array<i32>} : memref<16xf32, #tpu.memory_space<vmem>>, vector<16xf32>,
        %swap3A_483 = arith.index_cast %sub3A_480 : i32 to index
        %swap3A_484 = tpu.vector_load %arg12[%swap3A_483] {strides = array<i32>} : memref<256xf32, #tpu.memory_space<vmem>>, vector<16xf32>,
        tpu.vector_store %arg12[%swap3A_483], %get3A_482 {strides = array<i32>} : memref<256xf32, #tpu.memory_space<vmem>>, vector<16xf32>,
      } else {
      }
      %add3A_261 = arith.constant 2 : i32
      %add3A_262 = arith.addi %add3A_53, %add3A_261 : i32
      %dma_wait3A_263 = arith.constant 0 : i32
      %dma_wait3A_264 = tpu.memref_slice %arg8[%add3A_262, %dma_wait3A_263] : memref<128x2xi32, #tpu.memory_space<vmem>> -> memref<1x2xi32, #tpu.memory_space<vmem>>
      %dma_wait3A_265 = tpu.memref_squeeze %dma_wait3A_264 : memref<1x2xi32, #tpu.memory_space<vmem>> -> memref<2xi32, #tpu.memory_space<vmem>>
      %dma_wait3A_266 = arith.constant 0 : i32
      %dma_wait3A_267 = arith.constant 0 : i32
      %dma_wait3A_268 = tpu.memref_slice %arg4[%dma_wait3A_266, %dma_wait3A_267] : memref<8192x8192xf32, #tpu.memory_space<hbm>> -> memref<8192x8192xf32, #tpu.memory_space<hbm>>
      tpu.wait_indirect_dma semaphore(%arg19 : memref<!tpu.dma_semaphore, #tpu.memory_space<semaphore_mem>>) src(%dma_wait3A_268 : memref<8192x8192xf32, #tpu.memory_space<hbm>>) dst(%arg15 : memref<2x8192xf32, #tpu.memory_space<vmem>>)
      %mul3A_269 = arith.constant 2 : i32
      %mul3A_270 = arith.muli %add3A_262, %mul3A_269 : i32
      %add3A_271 = arith.addi %mul3A_2, %mul3A_270 : i32
      %dma_start3A_272 = arith.constant 0 : i32
      %dma_start3A_273 = tpu.memref_slice %arg5[%add3A_271, %dma_start3A_272] : memref<8192x8192xf32, #tpu.memory_space<hbm>> -> memref<2x8192xf32, #tpu.memory_space<hbm>>
      %dma_start3A_274 = arith.constant 0 : i32
      %dma_start3A_275 = tpu.memref_slice %arg5[%add3A_271, %dma_start3A_274] : memref<8192x8192xf32, #tpu.memory_space<hbm>> -> memref<2x8192xf32, #tpu.memory_space<hbm>>
      tpu.enqueue_dma source(%arg15 : memref<2x8192xf32, #tpu.memory_space<vmem>>) target(%dma_start3A_275 : memref<2x8192xf32, #tpu.memory_space<hbm>>) target_semaphore(%arg23 : memref<!tpu.dma_semaphore, #tpu.memory_space<semaphore_mem>>)
      %add3A_276 = arith.constant 2 : i32
      %add3A_277 = arith.addi %add3A_262, %add3A_276 : i32
      %lt3A_278 = arith.constant 128 : i32
      %lt3A_279 = arith.cmpi slt, %add3A_277, %lt3A_278 : i32
      %convert_element_type3A_280 = arith.extui %lt3A_279 : i1 to i32
      %cond3A_281 = arith.constant 0 : i32
      %cond3A_282 = arith.cmpi ne, %convert_element_type3A_280, %cond3A_281 : i32
      scf.if %cond3A_282 {
        %ge3A = arith.constant 2 : i32
        %ge3A_479 = arith.cmpi sge, %add3A_262, %ge3A : i32
        %convert_element_type3A_480 = arith.extui %ge3A_479 : i1 to i32
        %cond3A_481 = arith.constant 0 : i32
        %cond3A_482 = arith.cmpi ne, %convert_element_type3A_480, %cond3A_481 : i32
        scf.if %cond3A_482 {
          %sub3A_489 = arith.constant 2 : i32
          %sub3A_490 = arith.subi %add3A_262, %sub3A_489 : i32
          %mul3A_491 = arith.constant 2 : i32
          %mul3A_492 = arith.muli %sub3A_490, %mul3A_491 : i32
          %add3A_493 = arith.addi %mul3A_2, %mul3A_492 : i32
          %dma_wait3A_494 = arith.constant 0 : i32
          %dma_wait3A_495 = tpu.memref_slice %arg5[%add3A_493, %dma_wait3A_494] : memref<8192x8192xf32, #tpu.memory_space<hbm>> -> memref<2x8192xf32, #tpu.memory_space<hbm>>
          %dma_wait3A_496 = arith.constant 0 : i32
          %dma_wait3A_497 = tpu.memref_slice %arg5[%add3A_493, %dma_wait3A_496] : memref<8192x8192xf32, #tpu.memory_space<hbm>> -> memref<2x8192xf32, #tpu.memory_space<hbm>>
          tpu.wait_dma2 semaphore(%arg21 : memref<!tpu.dma_semaphore, #tpu.memory_space<semaphore_mem>>) src(%arg13 : memref<2x8192xf32, #tpu.memory_space<vmem>>) dst(%dma_wait3A_497 : memref<2x8192xf32, #tpu.memory_space<hbm>>)
        } else {
        }
        %dma_start3A_483 = arith.constant 0 : i32
        %dma_start3A_484 = tpu.memref_slice %arg8[%add3A_277, %dma_start3A_483] : memref<128x2xi32, #tpu.memory_space<vmem>> -> memref<1x2xi32, #tpu.memory_space<vmem>>
        %dma_start3A_485 = tpu.memref_squeeze %dma_start3A_484 : memref<1x2xi32, #tpu.memory_space<vmem>> -> memref<2xi32, #tpu.memory_space<vmem>>
        %dma_start3A_486 = arith.constant 0 : i32
        %dma_start3A_487 = arith.constant 0 : i32
        %dma_start3A_488 = tpu.memref_slice %arg4[%dma_start3A_486, %dma_start3A_487] : memref<8192x8192xf32, #tpu.memory_space<hbm>> -> memref<8192x8192xf32, #tpu.memory_space<hbm>>
        tpu.enqueue_indirect_dma source(%dma_start3A_488 : memref<8192x8192xf32, #tpu.memory_space<hbm>>) target(%arg13 : memref<2x8192xf32, #tpu.memory_space<vmem>>) offsets(%dma_start3A_485 : memref<2xi32, #tpu.memory_space<vmem>>) semaphore(%arg17 : memref<!tpu.dma_semaphore, #tpu.memory_space<semaphore_mem>>)
      } else {
      }
      %mul3A_283 = arith.constant 2 : i32
      %mul3A_284 = arith.muli %add3A_262, %mul3A_283 : i32
      %add3A_285 = vector.broadcast %mul3A_284 : i32 to vector<16xi32>
      %add3A_286 = arith.addi %add3A_285, %iota3A : vector<16xi32>
      %mul3A_287 = arith.constant 2 : i32
      %mul3A_288 = arith.muli %add3A_262, %mul3A_287 : i32
      %add3A_289 = arith.constant 2 : i32
      %add3A_290 = arith.addi %mul3A_288, %add3A_289 : i32
      %sub3A_291 = arith.constant 1 : i32
      %sub3A_292 = arith.subi %add3A_290, %sub3A_291 : i32
      %min3A_293 = vector.broadcast %sub3A_292 : i32 to vector<16xi32>
      %min3A_294 = arith.minsi %add3A_286, %min3A_293 : vector<16xi32>
      %shift_right_arithmetic3A_295 = arith.constant 7 : i32
      %shift_right_arithmetic3A_296 = vector.broadcast %shift_right_arithmetic3A_295 : i32 to vector<16xi32>
      %shift_right_arithmetic3A_297 = arith.shrsi %min3A_294, %shift_right_arithmetic3A_296 : vector<16xi32>
      %and3A_298 = arith.constant 127 : i32
      %and3A_299 = vector.broadcast %and3A_298 : i32 to vector<16xi32>
      %and3A_300 = arith.andi %min3A_294, %and3A_299 : vector<16xi32>
      %gather3A_301 = tpu.vector_load_idx %arg9[%shift_right_arithmetic3A_297, %and3A_300] : memref<2x128xi32, #tpu.memory_space<vmem>>[vector<16xi32>, vector<16xi32>], vector<16xi32>,
      %gather3A_302 = tpu.vector_load_idx %arg15[%min3A_6, %gather3A_301] : memref<2x8192xf32, #tpu.memory_space<vmem>>[vector<16xi32>, vector<16xi32>], vector<16xf32>,
      %jit3A_303 = arith.constant 0.000000e+00 : f32
      %broadcast_in_dim3A_304 = vector.broadcast %jit3A_303 : f32 to vector<16xf32>
      %select_n3A_305 = arith.select %lt3A_8, %gather3A_302, %broadcast_in_dim3A_304 : vector<16xi1>, vector<16xf32>
      %swap3A_306 = arith.constant 0 : index
      %swap3A_307 = tpu.vector_load %arg10[%swap3A_306] {strides = array<i32>} : memref<16xf32, #tpu.memory_space<vmem>>, vector<16xf32>,
      tpu.vector_store %arg10[%swap3A_306], %select_n3A_305 {add = true, strides = array<i32>} : memref<16xf32, #tpu.memory_space<vmem>>, vector<16xf32>,
      %mul3A_308 = arith.constant 2 : i32
      %mul3A_309 = arith.muli %add3A_262, %mul3A_308 : i32
      %add3A_310 = arith.constant 0 : i32
      %add3A_311 = arith.addi %mul3A_309, %add3A_310 : i32
      %broadcast_in_dim3A_312 = arith.constant 0.000000e+00 : f32
      %broadcast_in_dim3A_313 = vector.broadcast %broadcast_in_dim3A_312 : f32 to vector<16xf32>
      %scan3A_314 = arith.constant 0 : i32
      %scan3A_315 = arith.constant 512 : i32
      %scan3A_316 = arith.addi %scan3A_314, %scan3A_315 : i32
      %scan3A_317 = arith.constant 8 : i32
      %scan3A_318 = scf.for %scan3A_479 = %scan3A_314 to %scan3A_316 step %scan3A_317 iter_args(%scan3A_480 = %broadcast_in_dim3A_313) -> (vector<16xf32>)  : i32 {
        %mul3A_481 = arith.constant 1 : i32
        %mul3A_482 = arith.muli %scan3A_479, %mul3A_481 : i32
        %add3A_483 = arith.constant 0 : i32
        %add3A_484 = arith.addi %add3A_483, %mul3A_482 : i32
        %mul3A_485 = arith.constant 16 : i32
        %mul3A_486 = arith.muli %add3A_484, %mul3A_485 : i32
        %get3A_487 = arith.constant 0 : i32
        %get3A_488 = arith.index_cast %get3A_487 : i32 to index
        %get3A_489 = arith.index_cast %mul3A_486 : i32 to index
        %get3A_490 = tpu.vector_load %arg15[%get3A_488, %get3A_489] {strides = array<i32>} : memref<2x8192xf32, #tpu.memory_space<vmem>>, vector<16xf32>,
        %exp3A = math.exp %get3A_490 : vector<16xf32>
        %add3A_491 = arith.addf %scan3A_480, %exp3A : vector<16xf32>
        %scan3A_492 = arith.constant 1 : i32
        %scan3A_493 = arith.addi %scan3A_479, %scan3A_492 : i32
        %mul3A_494 = arith.constant 1 : i32
        %mul3A_495 = arith.muli %scan3A_493, %mul3A_494 : i32
        %add3A_496 = arith.constant 0 : i32
        %add3A_497 = arith.addi %add3A_496, %mul3A_495 : i32
        %mul3A_498 = arith.constant 16 : i32
        %mul3A_499 = arith.muli %add3A_497, %mul3A_498 : i32
        %get3A_500 = arith.constant 0 : i32
        %get3A_501 = arith.index_cast %get3A_500 : i32 to index
        %get3A_502 = arith.index_cast %mul3A_499 : i32 to index
        %get3A_503 = tpu.vector_load %arg15[%get3A_501, %get3A_502] {strides = array<i32>} : memref<2x8192xf32, #tpu.memory_space<vmem>>, vector<16xf32>,
        %exp3A_504 = math.exp %get3A_503 : vector<16xf32>
        %add3A_505 = arith.addf %add3A_491, %exp3A_504 : vector<16xf32>
        %scan3A_506 = arith.constant 2 : i32
        %scan3A_507 = arith.addi %scan3A_479, %scan3A_506 : i32
        %mul3A_508 = arith.constant 1 : i32
        %mul3A_509 = arith.muli %scan3A_507, %mul3A_508 : i32
        %add3A_510 = arith.constant 0 : i32
        %add3A_511 = arith.addi %add3A_510, %mul3A_509 : i32
        %mul3A_512 = arith.constant 16 : i32
        %mul3A_513 = arith.muli %add3A_511, %mul3A_512 : i32
        %get3A_514 = arith.constant 0 : i32
        %get3A_515 = arith.index_cast %get3A_514 : i32 to index
        %get3A_516 = arith.index_cast %mul3A_513 : i32 to index
        %get3A_517 = tpu.vector_load %arg15[%get3A_515, %get3A_516] {strides = array<i32>} : memref<2x8192xf32, #tpu.memory_space<vmem>>, vector<16xf32>,
        %exp3A_518 = math.exp %get3A_517 : vector<16xf32>
        %add3A_519 = arith.addf %add3A_505, %exp3A_518 : vector<16xf32>
        %scan3A_520 = arith.constant 3 : i32
        %scan3A_521 = arith.addi %scan3A_479, %scan3A_520 : i32
        %mul3A_522 = arith.constant 1 : i32
        %mul3A_523 = arith.muli %scan3A_521, %mul3A_522 : i32
        %add3A_524 = arith.constant 0 : i32
        %add3A_525 = arith.addi %add3A_524, %mul3A_523 : i32
        %mul3A_526 = arith.constant 16 : i32
        %mul3A_527 = arith.muli %add3A_525, %mul3A_526 : i32
        %get3A_528 = arith.constant 0 : i32
        %get3A_529 = arith.index_cast %get3A_528 : i32 to index
        %get3A_530 = arith.index_cast %mul3A_527 : i32 to index
        %get3A_531 = tpu.vector_load %arg15[%get3A_529, %get3A_530] {strides = array<i32>} : memref<2x8192xf32, #tpu.memory_space<vmem>>, vector<16xf32>,
        %exp3A_532 = math.exp %get3A_531 : vector<16xf32>
        %add3A_533 = arith.addf %add3A_519, %exp3A_532 : vector<16xf32>
        %scan3A_534 = arith.constant 4 : i32
        %scan3A_535 = arith.addi %scan3A_479, %scan3A_534 : i32
        %mul3A_536 = arith.constant 1 : i32
        %mul3A_537 = arith.muli %scan3A_535, %mul3A_536 : i32
        %add3A_538 = arith.constant 0 : i32
        %add3A_539 = arith.addi %add3A_538, %mul3A_537 : i32
        %mul3A_540 = arith.constant 16 : i32
        %mul3A_541 = arith.muli %add3A_539, %mul3A_540 : i32
        %get3A_542 = arith.constant 0 : i32
        %get3A_543 = arith.index_cast %get3A_542 : i32 to index
        %get3A_544 = arith.index_cast %mul3A_541 : i32 to index
        %get3A_545 = tpu.vector_load %arg15[%get3A_543, %get3A_544] {strides = array<i32>} : memref<2x8192xf32, #tpu.memory_space<vmem>>, vector<16xf32>,
        %exp3A_546 = math.exp %get3A_545 : vector<16xf32>
        %add3A_547 = arith.addf %add3A_533, %exp3A_546 : vector<16xf32>
        %scan3A_548 = arith.constant 5 : i32
        %scan3A_549 = arith.addi %scan3A_479, %scan3A_548 : i32
        %mul3A_550 = arith.constant 1 : i32
        %mul3A_551 = arith.muli %scan3A_549, %mul3A_550 : i32
        %add3A_552 = arith.constant 0 : i32
        %add3A_553 = arith.addi %add3A_552, %mul3A_551 : i32
        %mul3A_554 = arith.constant 16 : i32
        %mul3A_555 = arith.muli %add3A_553, %mul3A_554 : i32
        %get3A_556 = arith.constant 0 : i32
        %get3A_557 = arith.index_cast %get3A_556 : i32 to index
        %get3A_558 = arith.index_cast %mul3A_555 : i32 to index
        %get3A_559 = tpu.vector_load %arg15[%get3A_557, %get3A_558] {strides = array<i32>} : memref<2x8192xf32, #tpu.memory_space<vmem>>, vector<16xf32>,
        %exp3A_560 = math.exp %get3A_559 : vector<16xf32>
        %add3A_561 = arith.addf %add3A_547, %exp3A_560 : vector<16xf32>
        %scan3A_562 = arith.constant 6 : i32
        %scan3A_563 = arith.addi %scan3A_479, %scan3A_562 : i32
        %mul3A_564 = arith.constant 1 : i32
        %mul3A_565 = arith.muli %scan3A_563, %mul3A_564 : i32
        %add3A_566 = arith.constant 0 : i32
        %add3A_567 = arith.addi %add3A_566, %mul3A_565 : i32
        %mul3A_568 = arith.constant 16 : i32
        %mul3A_569 = arith.muli %add3A_567, %mul3A_568 : i32
        %get3A_570 = arith.constant 0 : i32
        %get3A_571 = arith.index_cast %get3A_570 : i32 to index
        %get3A_572 = arith.index_cast %mul3A_569 : i32 to index
        %get3A_573 = tpu.vector_load %arg15[%get3A_571, %get3A_572] {strides = array<i32>} : memref<2x8192xf32, #tpu.memory_space<vmem>>, vector<16xf32>,
        %exp3A_574 = math.exp %get3A_573 : vector<16xf32>
        %add3A_575 = arith.addf %add3A_561, %exp3A_574 : vector<16xf32>
        %scan3A_576 = arith.constant 7 : i32
        %scan3A_577 = arith.addi %scan3A_479, %scan3A_576 : i32
        %mul3A_578 = arith.constant 1 : i32
        %mul3A_579 = arith.muli %scan3A_577, %mul3A_578 : i32
        %add3A_580 = arith.constant 0 : i32
        %add3A_581 = arith.addi %add3A_580, %mul3A_579 : i32
        %mul3A_582 = arith.constant 16 : i32
        %mul3A_583 = arith.muli %add3A_581, %mul3A_582 : i32
        %get3A_584 = arith.constant 0 : i32
        %get3A_585 = arith.index_cast %get3A_584 : i32 to index
        %get3A_586 = arith.index_cast %mul3A_583 : i32 to index
        %get3A_587 = tpu.vector_load %arg15[%get3A_585, %get3A_586] {strides = array<i32>} : memref<2x8192xf32, #tpu.memory_space<vmem>>, vector<16xf32>,
        %exp3A_588 = math.exp %get3A_587 : vector<16xf32>
        %add3A_589 = arith.addf %add3A_575, %exp3A_588 : vector<16xf32>
        scf.yield %add3A_589 : vector<16xf32>
      }
      %scan3A_319 = arith.constant 512 : i32
      %reduce_sum3A_320 = arith.constant true
      %reduce_sum3A_321 = vector.broadcast %reduce_sum3A_320 : i1 to vector<16xi1>
      %reduce_sum3A_322 = tpu.scan <sum>, %scan3A_318 masked %reduce_sum3A_321 : vector<16xf32>, vector<16xi1> -> vector<16xf32>
      %reduce_sum3A_323 = vector.extract %reduce_sum3A_322[15] : f32 from vector<16xf32>
      %and3A_324 = arith.constant 15 : i32
      %and3A_325 = arith.andi %add3A_311, %and3A_324 : i32
      %eq3A_326 = vector.broadcast %and3A_325 : i32 to vector<16xi32>
      %eq3A_327 = arith.cmpi eq, %iota3A, %eq3A_326 : vector<16xi32>
      %get3A_328 = arith.constant 0 : index
      %get3A_329 = tpu.vector_load %arg11[%get3A_328] {strides = array<i32>} : memref<16xf32, #tpu.memory_space<vmem>>, vector<16xf32>,
      %broadcast_in_dim3A_330 = vector.broadcast %reduce_sum3A_323 : f32 to vector<16xf32>
      %select_n3A_331 = arith.select %eq3A_327, %broadcast_in_dim3A_330, %get3A_329 : vector<16xi1>, vector<16xf32>
      %swap3A_332 = arith.constant 0 : index
      %swap3A_333 = tpu.vector_load %arg11[%swap3A_332] {strides = array<i32>} : memref<16xf32, #tpu.memory_space<vmem>>, vector<16xf32>,
      tpu.vector_store %arg11[%swap3A_332], %select_n3A_331 {strides = array<i32>} : memref<16xf32, #tpu.memory_space<vmem>>, vector<16xf32>,
      %eq3A_334 = arith.constant 15 : i32
      %eq3A_335 = arith.cmpi eq, %and3A_325, %eq3A_334 : i32
      %convert_element_type3A_336 = arith.extui %eq3A_335 : i1 to i32
      %cond3A_337 = arith.constant 0 : i32
      %cond3A_338 = arith.cmpi ne, %convert_element_type3A_336, %cond3A_337 : i32
      scf.if %cond3A_338 {
        %sub3A_479 = arith.constant 15 : i32
        %sub3A_480 = arith.subi %add3A_311, %sub3A_479 : i32
        %get3A_481 = arith.constant 0 : index
        %get3A_482 = tpu.vector_load %arg11[%get3A_481] {strides = array<i32>} : memref<16xf32, #tpu.memory_space<vmem>>, vector<16xf32>,
        %swap3A_483 = arith.index_cast %sub3A_480 : i32 to index
        %swap3A_484 = tpu.vector_load %arg12[%swap3A_483] {strides = array<i32>} : memref<256xf32, #tpu.memory_space<vmem>>, vector<16xf32>,
        tpu.vector_store %arg12[%swap3A_483], %get3A_482 {strides = array<i32>} : memref<256xf32, #tpu.memory_space<vmem>>, vector<16xf32>,
      } else {
      }
      %mul3A_339 = arith.constant 2 : i32
      %mul3A_340 = arith.muli %add3A_262, %mul3A_339 : i32
      %add3A_341 = arith.constant 1 : i32
      %add3A_342 = arith.addi %mul3A_340, %add3A_341 : i32
      %broadcast_in_dim3A_343 = arith.constant 0.000000e+00 : f32
      %broadcast_in_dim3A_344 = vector.broadcast %broadcast_in_dim3A_343 : f32 to vector<16xf32>
      %scan3A_345 = arith.constant 0 : i32
      %scan3A_346 = arith.constant 512 : i32
      %scan3A_347 = arith.addi %scan3A_345, %scan3A_346 : i32
      %scan3A_348 = arith.constant 8 : i32
      %scan3A_349 = scf.for %scan3A_479 = %scan3A_345 to %scan3A_347 step %scan3A_348 iter_args(%scan3A_480 = %broadcast_in_dim3A_344) -> (vector<16xf32>)  : i32 {
        %mul3A_481 = arith.constant 1 : i32
        %mul3A_482 = arith.muli %scan3A_479, %mul3A_481 : i32
        %add3A_483 = arith.constant 0 : i32
        %add3A_484 = arith.addi %add3A_483, %mul3A_482 : i32
        %mul3A_485 = arith.constant 16 : i32
        %mul3A_486 = arith.muli %add3A_484, %mul3A_485 : i32
        %get3A_487 = arith.constant 1 : i32
        %get3A_488 = arith.index_cast %get3A_487 : i32 to index
        %get3A_489 = arith.index_cast %mul3A_486 : i32 to index
        %get3A_490 = tpu.vector_load %arg15[%get3A_488, %get3A_489] {strides = array<i32>} : memref<2x8192xf32, #tpu.memory_space<vmem>>, vector<16xf32>,
        %exp3A = math.exp %get3A_490 : vector<16xf32>
        %add3A_491 = arith.addf %scan3A_480, %exp3A : vector<16xf32>
        %scan3A_492 = arith.constant 1 : i32
        %scan3A_493 = arith.addi %scan3A_479, %scan3A_492 : i32
        %mul3A_494 = arith.constant 1 : i32
        %mul3A_495 = arith.muli %scan3A_493, %mul3A_494 : i32
        %add3A_496 = arith.constant 0 : i32
        %add3A_497 = arith.addi %add3A_496, %mul3A_495 : i32
        %mul3A_498 = arith.constant 16 : i32
        %mul3A_499 = arith.muli %add3A_497, %mul3A_498 : i32
        %get3A_500 = arith.constant 1 : i32
        %get3A_501 = arith.index_cast %get3A_500 : i32 to index
        %get3A_502 = arith.index_cast %mul3A_499 : i32 to index
        %get3A_503 = tpu.vector_load %arg15[%get3A_501, %get3A_502] {strides = array<i32>} : memref<2x8192xf32, #tpu.memory_space<vmem>>, vector<16xf32>,
        %exp3A_504 = math.exp %get3A_503 : vector<16xf32>
        %add3A_505 = arith.addf %add3A_491, %exp3A_504 : vector<16xf32>
        %scan3A_506 = arith.constant 2 : i32
        %scan3A_507 = arith.addi %scan3A_479, %scan3A_506 : i32
        %mul3A_508 = arith.constant 1 : i32
        %mul3A_509 = arith.muli %scan3A_507, %mul3A_508 : i32
        %add3A_510 = arith.constant 0 : i32
        %add3A_511 = arith.addi %add3A_510, %mul3A_509 : i32
        %mul3A_512 = arith.constant 16 : i32
        %mul3A_513 = arith.muli %add3A_511, %mul3A_512 : i32
        %get3A_514 = arith.constant 1 : i32
        %get3A_515 = arith.index_cast %get3A_514 : i32 to index
        %get3A_516 = arith.index_cast %mul3A_513 : i32 to index
        %get3A_517 = tpu.vector_load %arg15[%get3A_515, %get3A_516] {strides = array<i32>} : memref<2x8192xf32, #tpu.memory_space<vmem>>, vector<16xf32>,
        %exp3A_518 = math.exp %get3A_517 : vector<16xf32>
        %add3A_519 = arith.addf %add3A_505, %exp3A_518 : vector<16xf32>
        %scan3A_520 = arith.constant 3 : i32
        %scan3A_521 = arith.addi %scan3A_479, %scan3A_520 : i32
        %mul3A_522 = arith.constant 1 : i32
        %mul3A_523 = arith.muli %scan3A_521, %mul3A_522 : i32
        %add3A_524 = arith.constant 0 : i32
        %add3A_525 = arith.addi %add3A_524, %mul3A_523 : i32
        %mul3A_526 = arith.constant 16 : i32
        %mul3A_527 = arith.muli %add3A_525, %mul3A_526 : i32
        %get3A_528 = arith.constant 1 : i32
        %get3A_529 = arith.index_cast %get3A_528 : i32 to index
        %get3A_530 = arith.index_cast %mul3A_527 : i32 to index
        %get3A_531 = tpu.vector_load %arg15[%get3A_529, %get3A_530] {strides = array<i32>} : memref<2x8192xf32, #tpu.memory_space<vmem>>, vector<16xf32>,
        %exp3A_532 = math.exp %get3A_531 : vector<16xf32>
        %add3A_533 = arith.addf %add3A_519, %exp3A_532 : vector<16xf32>
        %scan3A_534 = arith.constant 4 : i32
        %scan3A_535 = arith.addi %scan3A_479, %scan3A_534 : i32
        %mul3A_536 = arith.constant 1 : i32
        %mul3A_537 = arith.muli %scan3A_535, %mul3A_536 : i32
        %add3A_538 = arith.constant 0 : i32
        %add3A_539 = arith.addi %add3A_538, %mul3A_537 : i32
        %mul3A_540 = arith.constant 16 : i32
        %mul3A_541 = arith.muli %add3A_539, %mul3A_540 : i32
        %get3A_542 = arith.constant 1 : i32
        %get3A_543 = arith.index_cast %get3A_542 : i32 to index
        %get3A_544 = arith.index_cast %mul3A_541 : i32 to index
        %get3A_545 = tpu.vector_load %arg15[%get3A_543, %get3A_544] {strides = array<i32>} : memref<2x8192xf32, #tpu.memory_space<vmem>>, vector<16xf32>,
        %exp3A_546 = math.exp %get3A_545 : vector<16xf32>
        %add3A_547 = arith.addf %add3A_533, %exp3A_546 : vector<16xf32>
        %scan3A_548 = arith.constant 5 : i32
        %scan3A_549 = arith.addi %scan3A_479, %scan3A_548 : i32
        %mul3A_550 = arith.constant 1 : i32
        %mul3A_551 = arith.muli %scan3A_549, %mul3A_550 : i32
        %add3A_552 = arith.constant 0 : i32
        %add3A_553 = arith.addi %add3A_552, %mul3A_551 : i32
        %mul3A_554 = arith.constant 16 : i32
        %mul3A_555 = arith.muli %add3A_553, %mul3A_554 : i32
        %get3A_556 = arith.constant 1 : i32
        %get3A_557 = arith.index_cast %get3A_556 : i32 to index
        %get3A_558 = arith.index_cast %mul3A_555 : i32 to index
        %get3A_559 = tpu.vector_load %arg15[%get3A_557, %get3A_558] {strides = array<i32>} : memref<2x8192xf32, #tpu.memory_space<vmem>>, vector<16xf32>,
        %exp3A_560 = math.exp %get3A_559 : vector<16xf32>
        %add3A_561 = arith.addf %add3A_547, %exp3A_560 : vector<16xf32>
        %scan3A_562 = arith.constant 6 : i32
        %scan3A_563 = arith.addi %scan3A_479, %scan3A_562 : i32
        %mul3A_564 = arith.constant 1 : i32
        %mul3A_565 = arith.muli %scan3A_563, %mul3A_564 : i32
        %add3A_566 = arith.constant 0 : i32
        %add3A_567 = arith.addi %add3A_566, %mul3A_565 : i32
        %mul3A_568 = arith.constant 16 : i32
        %mul3A_569 = arith.muli %add3A_567, %mul3A_568 : i32
        %get3A_570 = arith.constant 1 : i32
        %get3A_571 = arith.index_cast %get3A_570 : i32 to index
        %get3A_572 = arith.index_cast %mul3A_569 : i32 to index
        %get3A_573 = tpu.vector_load %arg15[%get3A_571, %get3A_572] {strides = array<i32>} : memref<2x8192xf32, #tpu.memory_space<vmem>>, vector<16xf32>,
        %exp3A_574 = math.exp %get3A_573 : vector<16xf32>
        %add3A_575 = arith.addf %add3A_561, %exp3A_574 : vector<16xf32>
        %scan3A_576 = arith.constant 7 : i32
        %scan3A_577 = arith.addi %scan3A_479, %scan3A_576 : i32
        %mul3A_578 = arith.constant 1 : i32
        %mul3A_579 = arith.muli %scan3A_577, %mul3A_578 : i32
        %add3A_580 = arith.constant 0 : i32
        %add3A_581 = arith.addi %add3A_580, %mul3A_579 : i32
        %mul3A_582 = arith.constant 16 : i32
        %mul3A_583 = arith.muli %add3A_581, %mul3A_582 : i32
        %get3A_584 = arith.constant 1 : i32
        %get3A_585 = arith.index_cast %get3A_584 : i32 to index
        %get3A_586 = arith.index_cast %mul3A_583 : i32 to index
        %get3A_587 = tpu.vector_load %arg15[%get3A_585, %get3A_586] {strides = array<i32>} : memref<2x8192xf32, #tpu.memory_space<vmem>>, vector<16xf32>,
        %exp3A_588 = math.exp %get3A_587 : vector<16xf32>
        %add3A_589 = arith.addf %add3A_575, %exp3A_588 : vector<16xf32>
        scf.yield %add3A_589 : vector<16xf32>
      }
      %scan3A_350 = arith.constant 512 : i32
      %reduce_sum3A_351 = arith.constant true
      %reduce_sum3A_352 = vector.broadcast %reduce_sum3A_351 : i1 to vector<16xi1>
      %reduce_sum3A_353 = tpu.scan <sum>, %scan3A_349 masked %reduce_sum3A_352 : vector<16xf32>, vector<16xi1> -> vector<16xf32>
      %reduce_sum3A_354 = vector.extract %reduce_sum3A_353[15] : f32 from vector<16xf32>
      %and3A_355 = arith.constant 15 : i32
      %and3A_356 = arith.andi %add3A_342, %and3A_355 : i32
      %eq3A_357 = vector.broadcast %and3A_356 : i32 to vector<16xi32>
      %eq3A_358 = arith.cmpi eq, %iota3A, %eq3A_357 : vector<16xi32>
      %get3A_359 = arith.constant 0 : index
      %get3A_360 = tpu.vector_load %arg11[%get3A_359] {strides = array<i32>} : memref<16xf32, #tpu.memory_space<vmem>>, vector<16xf32>,
      %broadcast_in_dim3A_361 = vector.broadcast %reduce_sum3A_354 : f32 to vector<16xf32>
      %select_n3A_362 = arith.select %eq3A_358, %broadcast_in_dim3A_361, %get3A_360 : vector<16xi1>, vector<16xf32>
      %swap3A_363 = arith.constant 0 : index
      %swap3A_364 = tpu.vector_load %arg11[%swap3A_363] {strides = array<i32>} : memref<16xf32, #tpu.memory_space<vmem>>, vector<16xf32>,
      tpu.vector_store %arg11[%swap3A_363], %select_n3A_362 {strides = array<i32>} : memref<16xf32, #tpu.memory_space<vmem>>, vector<16xf32>,
      %eq3A_365 = arith.constant 15 : i32
      %eq3A_366 = arith.cmpi eq, %and3A_356, %eq3A_365 : i32
      %convert_element_type3A_367 = arith.extui %eq3A_366 : i1 to i32
      %cond3A_368 = arith.constant 0 : i32
      %cond3A_369 = arith.cmpi ne, %convert_element_type3A_367, %cond3A_368 : i32
      scf.if %cond3A_369 {
        %sub3A_479 = arith.constant 15 : i32
        %sub3A_480 = arith.subi %add3A_342, %sub3A_479 : i32
        %get3A_481 = arith.constant 0 : index
        %get3A_482 = tpu.vector_load %arg11[%get3A_481] {strides = array<i32>} : memref<16xf32, #tpu.memory_space<vmem>>, vector<16xf32>,
        %swap3A_483 = arith.index_cast %sub3A_480 : i32 to index
        %swap3A_484 = tpu.vector_load %arg12[%swap3A_483] {strides = array<i32>} : memref<256xf32, #tpu.memory_space<vmem>>, vector<16xf32>,
        tpu.vector_store %arg12[%swap3A_483], %get3A_482 {strides = array<i32>} : memref<256xf32, #tpu.memory_space<vmem>>, vector<16xf32>,
      } else {
      }
      %add3A_370 = arith.constant 3 : i32
      %add3A_371 = arith.addi %add3A_53, %add3A_370 : i32
      %dma_wait3A_372 = arith.constant 0 : i32
      %dma_wait3A_373 = tpu.memref_slice %arg8[%add3A_371, %dma_wait3A_372] : memref<128x2xi32, #tpu.memory_space<vmem>> -> memref<1x2xi32, #tpu.memory_space<vmem>>
      %dma_wait3A_374 = tpu.memref_squeeze %dma_wait3A_373 : memref<1x2xi32, #tpu.memory_space<vmem>> -> memref<2xi32, #tpu.memory_space<vmem>>
      %dma_wait3A_375 = arith.constant 0 : i32
      %dma_wait3A_376 = arith.constant 0 : i32
      %dma_wait3A_377 = tpu.memref_slice %arg4[%dma_wait3A_375, %dma_wait3A_376] : memref<8192x8192xf32, #tpu.memory_space<hbm>> -> memref<8192x8192xf32, #tpu.memory_space<hbm>>
      tpu.wait_indirect_dma semaphore(%arg20 : memref<!tpu.dma_semaphore, #tpu.memory_space<semaphore_mem>>) src(%dma_wait3A_377 : memref<8192x8192xf32, #tpu.memory_space<hbm>>) dst(%arg16 : memref<2x8192xf32, #tpu.memory_space<vmem>>)
      %mul3A_378 = arith.constant 2 : i32
      %mul3A_379 = arith.muli %add3A_371, %mul3A_378 : i32
      %add3A_380 = arith.addi %mul3A_2, %mul3A_379 : i32
      %dma_start3A_381 = arith.constant 0 : i32
      %dma_start3A_382 = tpu.memref_slice %arg5[%add3A_380, %dma_start3A_381] : memref<8192x8192xf32, #tpu.memory_space<hbm>> -> memref<2x8192xf32, #tpu.memory_space<hbm>>
      %dma_start3A_383 = arith.constant 0 : i32
      %dma_start3A_384 = tpu.memref_slice %arg5[%add3A_380, %dma_start3A_383] : memref<8192x8192xf32, #tpu.memory_space<hbm>> -> memref<2x8192xf32, #tpu.memory_space<hbm>>
      tpu.enqueue_dma source(%arg16 : memref<2x8192xf32, #tpu.memory_space<vmem>>) target(%dma_start3A_384 : memref<2x8192xf32, #tpu.memory_space<hbm>>) target_semaphore(%arg24 : memref<!tpu.dma_semaphore, #tpu.memory_space<semaphore_mem>>)
      %add3A_385 = arith.constant 2 : i32
      %add3A_386 = arith.addi %add3A_371, %add3A_385 : i32
      %lt3A_387 = arith.constant 128 : i32
      %lt3A_388 = arith.cmpi slt, %add3A_386, %lt3A_387 : i32
      %convert_element_type3A_389 = arith.extui %lt3A_388 : i1 to i32
      %cond3A_390 = arith.constant 0 : i32
      %cond3A_391 = arith.cmpi ne, %convert_element_type3A_389, %cond3A_390 : i32
      scf.if %cond3A_391 {
        %ge3A = arith.constant 2 : i32
        %ge3A_479 = arith.cmpi sge, %add3A_371, %ge3A : i32
        %convert_element_type3A_480 = arith.extui %ge3A_479 : i1 to i32
        %cond3A_481 = arith.constant 0 : i32
        %cond3A_482 = arith.cmpi ne, %convert_element_type3A_480, %cond3A_481 : i32
        scf.if %cond3A_482 {
          %sub3A_489 = arith.constant 2 : i32
          %sub3A_490 = arith.subi %add3A_371, %sub3A_489 : i32
          %mul3A_491 = arith.constant 2 : i32
          %mul3A_492 = arith.muli %sub3A_490, %mul3A_491 : i32
          %add3A_493 = arith.addi %mul3A_2, %mul3A_492 : i32
          %dma_wait3A_494 = arith.constant 0 : i32
          %dma_wait3A_495 = tpu.memref_slice %arg5[%add3A_493, %dma_wait3A_494] : memref<8192x8192xf32, #tpu.memory_space<hbm>> -> memref<2x8192xf32, #tpu.memory_space<hbm>>
          %dma_wait3A_496 = arith.constant 0 : i32
          %dma_wait3A_497 = tpu.memref_slice %arg5[%add3A_493, %dma_wait3A_496] : memref<8192x8192xf32, #tpu.memory_space<hbm>> -> memref<2x8192xf32, #tpu.memory_space<hbm>>
          tpu.wait_dma2 semaphore(%arg22 : memref<!tpu.dma_semaphore, #tpu.memory_space<semaphore_mem>>) src(%arg14 : memref<2x8192xf32, #tpu.memory_space<vmem>>) dst(%dma_wait3A_497 : memref<2x8192xf32, #tpu.memory_space<hbm>>)
        } else {
        }
        %dma_start3A_483 = arith.constant 0 : i32
        %dma_start3A_484 = tpu.memref_slice %arg8[%add3A_386, %dma_start3A_483] : memref<128x2xi32, #tpu.memory_space<vmem>> -> memref<1x2xi32, #tpu.memory_space<vmem>>
        %dma_start3A_485 = tpu.memref_squeeze %dma_start3A_484 : memref<1x2xi32, #tpu.memory_space<vmem>> -> memref<2xi32, #tpu.memory_space<vmem>>
        %dma_start3A_486 = arith.constant 0 : i32
        %dma_start3A_487 = arith.constant 0 : i32
        %dma_start3A_488 = tpu.memref_slice %arg4[%dma_start3A_486, %dma_start3A_487] : memref<8192x8192xf32, #tpu.memory_space<hbm>> -> memref<8192x8192xf32, #tpu.memory_space<hbm>>
        tpu.enqueue_indirect_dma source(%dma_start3A_488 : memref<8192x8192xf32, #tpu.memory_space<hbm>>) target(%arg14 : memref<2x8192xf32, #tpu.memory_space<vmem>>) offsets(%dma_start3A_485 : memref<2xi32, #tpu.memory_space<vmem>>) semaphore(%arg18 : memref<!tpu.dma_semaphore, #tpu.memory_space<semaphore_mem>>)
      } else {
      }
      %mul3A_392 = arith.constant 2 : i32
      %mul3A_393 = arith.muli %add3A_371, %mul3A_392 : i32
      %add3A_394 = vector.broadcast %mul3A_393 : i32 to vector<16xi32>
      %add3A_395 = arith.addi %add3A_394, %iota3A : vector<16xi32>
      %mul3A_396 = arith.constant 2 : i32
      %mul3A_397 = arith.muli %add3A_371, %mul3A_396 : i32
      %add3A_398 = arith.constant 2 : i32
      %add3A_399 = arith.addi %mul3A_397, %add3A_398 : i32
      %sub3A_400 = arith.constant 1 : i32
      %sub3A_401 = arith.subi %add3A_399, %sub3A_400 : i32
      %min3A_402 = vector.broadcast %sub3A_401 : i32 to vector<16xi32>
      %min3A_403 = arith.minsi %add3A_395, %min3A_402 : vector<16xi32>
      %shift_right_arithmetic3A_404 = arith.constant 7 : i32
      %shift_right_arithmetic3A_405 = vector.broadcast %shift_right_arithmetic3A_404 : i32 to vector<16xi32>
      %shift_right_arithmetic3A_406 = arith.shrsi %min3A_403, %shift_right_arithmetic3A_405 : vector<16xi32>
      %and3A_407 = arith.constant 127 : i32
      %and3A_408 = vector.broadcast %and3A_407 : i32 to vector<16xi32>
      %and3A_409 = arith.andi %min3A_403, %and3A_408 : vector<16xi32>
      %gather3A_410 = tpu.vector_load_idx %arg9[%shift_right_arithmetic3A_406, %and3A_409] : memref<2x128xi32, #tpu.memory_space<vmem>>[vector<16xi32>, vector<16xi32>], vector<16xi32>,
      %gather3A_411 = tpu.vector_load_idx %arg16[%min3A_6, %gather3A_410] : memref<2x8192xf32, #tpu.memory_space<vmem>>[vector<16xi32>, vector<16xi32>], vector<16xf32>,
      %jit3A_412 = arith.constant 0.000000e+00 : f32
      %broadcast_in_dim3A_413 = vector.broadcast %jit3A_412 : f32 to vector<16xf32>
      %select_n3A_414 = arith.select %lt3A_8, %gather3A_411, %broadcast_in_dim3A_413 : vector<16xi1>, vector<16xf32>
      %swap3A_415 = arith.constant 0 : index
      %swap3A_416 = tpu.vector_load %arg10[%swap3A_415] {strides = array<i32>} : memref<16xf32, #tpu.memory_space<vmem>>, vector<16xf32>,
      tpu.vector_store %arg10[%swap3A_415], %select_n3A_414 {add = true, strides = array<i32>} : memref<16xf32, #tpu.memory_space<vmem>>, vector<16xf32>,
      %mul3A_417 = arith.constant 2 : i32
      %mul3A_418 = arith.muli %add3A_371, %mul3A_417 : i32
      %add3A_419 = arith.constant 0 : i32
      %add3A_420 = arith.addi %mul3A_418, %add3A_419 : i32
      %broadcast_in_dim3A_421 = arith.constant 0.000000e+00 : f32
      %broadcast_in_dim3A_422 = vector.broadcast %broadcast_in_dim3A_421 : f32 to vector<16xf32>
      %scan3A_423 = arith.constant 0 : i32
      %scan3A_424 = arith.constant 512 : i32
      %scan3A_425 = arith.addi %scan3A_423, %scan3A_424 : i32
      %scan3A_426 = arith.constant 8 : i32
      %scan3A_427 = scf.for %scan3A_479 = %scan3A_423 to %scan3A_425 step %scan3A_426 iter_args(%scan3A_480 = %broadcast_in_dim3A_422) -> (vector<16xf32>)  : i32 {
        %mul3A_481 = arith.constant 1 : i32
        %mul3A_482 = arith.muli %scan3A_479, %mul3A_481 : i32
        %add3A_483 = arith.constant 0 : i32
        %add3A_484 = arith.addi %add3A_483, %mul3A_482 : i32
        %mul3A_485 = arith.constant 16 : i32
        %mul3A_486 = arith.muli %add3A_484, %mul3A_485 : i32
        %get3A_487 = arith.constant 0 : i32
        %get3A_488 = arith.index_cast %get3A_487 : i32 to index
        %get3A_489 = arith.index_cast %mul3A_486 : i32 to index
        %get3A_490 = tpu.vector_load %arg16[%get3A_488, %get3A_489] {strides = array<i32>} : memref<2x8192xf32, #tpu.memory_space<vmem>>, vector<16xf32>,
        %exp3A = math.exp %get3A_490 : vector<16xf32>
        %add3A_491 = arith.addf %scan3A_480, %exp3A : vector<16xf32>
        %scan3A_492 = arith.constant 1 : i32
        %scan3A_493 = arith.addi %scan3A_479, %scan3A_492 : i32
        %mul3A_494 = arith.constant 1 : i32
        %mul3A_495 = arith.muli %scan3A_493, %mul3A_494 : i32
        %add3A_496 = arith.constant 0 : i32
        %add3A_497 = arith.addi %add3A_496, %mul3A_495 : i32
        %mul3A_498 = arith.constant 16 : i32
        %mul3A_499 = arith.muli %add3A_497, %mul3A_498 : i32
        %get3A_500 = arith.constant 0 : i32
        %get3A_501 = arith.index_cast %get3A_500 : i32 to index
        %get3A_502 = arith.index_cast %mul3A_499 : i32 to index
        %get3A_503 = tpu.vector_load %arg16[%get3A_501, %get3A_502] {strides = array<i32>} : memref<2x8192xf32, #tpu.memory_space<vmem>>, vector<16xf32>,
        %exp3A_504 = math.exp %get3A_503 : vector<16xf32>
        %add3A_505 = arith.addf %add3A_491, %exp3A_504 : vector<16xf32>
        %scan3A_506 = arith.constant 2 : i32
        %scan3A_507 = arith.addi %scan3A_479, %scan3A_506 : i32
        %mul3A_508 = arith.constant 1 : i32
        %mul3A_509 = arith.muli %scan3A_507, %mul3A_508 : i32
        %add3A_510 = arith.constant 0 : i32
        %add3A_511 = arith.addi %add3A_510, %mul3A_509 : i32
        %mul3A_512 = arith.constant 16 : i32
        %mul3A_513 = arith.muli %add3A_511, %mul3A_512 : i32
        %get3A_514 = arith.constant 0 : i32
        %get3A_515 = arith.index_cast %get3A_514 : i32 to index
        %get3A_516 = arith.index_cast %mul3A_513 : i32 to index
        %get3A_517 = tpu.vector_load %arg16[%get3A_515, %get3A_516] {strides = array<i32>} : memref<2x8192xf32, #tpu.memory_space<vmem>>, vector<16xf32>,
        %exp3A_518 = math.exp %get3A_517 : vector<16xf32>
        %add3A_519 = arith.addf %add3A_505, %exp3A_518 : vector<16xf32>
        %scan3A_520 = arith.constant 3 : i32
        %scan3A_521 = arith.addi %scan3A_479, %scan3A_520 : i32
        %mul3A_522 = arith.constant 1 : i32
        %mul3A_523 = arith.muli %scan3A_521, %mul3A_522 : i32
        %add3A_524 = arith.constant 0 : i32
        %add3A_525 = arith.addi %add3A_524, %mul3A_523 : i32
        %mul3A_526 = arith.constant 16 : i32
        %mul3A_527 = arith.muli %add3A_525, %mul3A_526 : i32
        %get3A_528 = arith.constant 0 : i32
        %get3A_529 = arith.index_cast %get3A_528 : i32 to index
        %get3A_530 = arith.index_cast %mul3A_527 : i32 to index
        %get3A_531 = tpu.vector_load %arg16[%get3A_529, %get3A_530] {strides = array<i32>} : memref<2x8192xf32, #tpu.memory_space<vmem>>, vector<16xf32>,
        %exp3A_532 = math.exp %get3A_531 : vector<16xf32>
        %add3A_533 = arith.addf %add3A_519, %exp3A_532 : vector<16xf32>
        %scan3A_534 = arith.constant 4 : i32
        %scan3A_535 = arith.addi %scan3A_479, %scan3A_534 : i32
        %mul3A_536 = arith.constant 1 : i32
        %mul3A_537 = arith.muli %scan3A_535, %mul3A_536 : i32
        %add3A_538 = arith.constant 0 : i32
        %add3A_539 = arith.addi %add3A_538, %mul3A_537 : i32
        %mul3A_540 = arith.constant 16 : i32
        %mul3A_541 = arith.muli %add3A_539, %mul3A_540 : i32
        %get3A_542 = arith.constant 0 : i32
        %get3A_543 = arith.index_cast %get3A_542 : i32 to index
        %get3A_544 = arith.index_cast %mul3A_541 : i32 to index
        %get3A_545 = tpu.vector_load %arg16[%get3A_543, %get3A_544] {strides = array<i32>} : memref<2x8192xf32, #tpu.memory_space<vmem>>, vector<16xf32>,
        %exp3A_546 = math.exp %get3A_545 : vector<16xf32>
        %add3A_547 = arith.addf %add3A_533, %exp3A_546 : vector<16xf32>
        %scan3A_548 = arith.constant 5 : i32
        %scan3A_549 = arith.addi %scan3A_479, %scan3A_548 : i32
        %mul3A_550 = arith.constant 1 : i32
        %mul3A_551 = arith.muli %scan3A_549, %mul3A_550 : i32
        %add3A_552 = arith.constant 0 : i32
        %add3A_553 = arith.addi %add3A_552, %mul3A_551 : i32
        %mul3A_554 = arith.constant 16 : i32
        %mul3A_555 = arith.muli %add3A_553, %mul3A_554 : i32
        %get3A_556 = arith.constant 0 : i32
        %get3A_557 = arith.index_cast %get3A_556 : i32 to index
        %get3A_558 = arith.index_cast %mul3A_555 : i32 to index
        %get3A_559 = tpu.vector_load %arg16[%get3A_557, %get3A_558] {strides = array<i32>} : memref<2x8192xf32, #tpu.memory_space<vmem>>, vector<16xf32>,
        %exp3A_560 = math.exp %get3A_559 : vector<16xf32>
        %add3A_561 = arith.addf %add3A_547, %exp3A_560 : vector<16xf32>
        %scan3A_562 = arith.constant 6 : i32
        %scan3A_563 = arith.addi %scan3A_479, %scan3A_562 : i32
        %mul3A_564 = arith.constant 1 : i32
        %mul3A_565 = arith.muli %scan3A_563, %mul3A_564 : i32
        %add3A_566 = arith.constant 0 : i32
        %add3A_567 = arith.addi %add3A_566, %mul3A_565 : i32
        %mul3A_568 = arith.constant 16 : i32
        %mul3A_569 = arith.muli %add3A_567, %mul3A_568 : i32
        %get3A_570 = arith.constant 0 : i32
        %get3A_571 = arith.index_cast %get3A_570 : i32 to index
        %get3A_572 = arith.index_cast %mul3A_569 : i32 to index
        %get3A_573 = tpu.vector_load %arg16[%get3A_571, %get3A_572] {strides = array<i32>} : memref<2x8192xf32, #tpu.memory_space<vmem>>, vector<16xf32>,
        %exp3A_574 = math.exp %get3A_573 : vector<16xf32>
        %add3A_575 = arith.addf %add3A_561, %exp3A_574 : vector<16xf32>
        %scan3A_576 = arith.constant 7 : i32
        %scan3A_577 = arith.addi %scan3A_479, %scan3A_576 : i32
        %mul3A_578 = arith.constant 1 : i32
        %mul3A_579 = arith.muli %scan3A_577, %mul3A_578 : i32
        %add3A_580 = arith.constant 0 : i32
        %add3A_581 = arith.addi %add3A_580, %mul3A_579 : i32
        %mul3A_582 = arith.constant 16 : i32
        %mul3A_583 = arith.muli %add3A_581, %mul3A_582 : i32
        %get3A_584 = arith.constant 0 : i32
        %get3A_585 = arith.index_cast %get3A_584 : i32 to index
        %get3A_586 = arith.index_cast %mul3A_583 : i32 to index
        %get3A_587 = tpu.vector_load %arg16[%get3A_585, %get3A_586] {strides = array<i32>} : memref<2x8192xf32, #tpu.memory_space<vmem>>, vector<16xf32>,
        %exp3A_588 = math.exp %get3A_587 : vector<16xf32>
        %add3A_589 = arith.addf %add3A_575, %exp3A_588 : vector<16xf32>
        scf.yield %add3A_589 : vector<16xf32>
      }
      %scan3A_428 = arith.constant 512 : i32
      %reduce_sum3A_429 = arith.constant true
      %reduce_sum3A_430 = vector.broadcast %reduce_sum3A_429 : i1 to vector<16xi1>
      %reduce_sum3A_431 = tpu.scan <sum>, %scan3A_427 masked %reduce_sum3A_430 : vector<16xf32>, vector<16xi1> -> vector<16xf32>
      %reduce_sum3A_432 = vector.extract %reduce_sum3A_431[15] : f32 from vector<16xf32>
      %and3A_433 = arith.constant 15 : i32
      %and3A_434 = arith.andi %add3A_420, %and3A_433 : i32
      %eq3A_435 = vector.broadcast %and3A_434 : i32 to vector<16xi32>
      %eq3A_436 = arith.cmpi eq, %iota3A, %eq3A_435 : vector<16xi32>
      %get3A_437 = arith.constant 0 : index
      %get3A_438 = tpu.vector_load %arg11[%get3A_437] {strides = array<i32>} : memref<16xf32, #tpu.memory_space<vmem>>, vector<16xf32>,
      %broadcast_in_dim3A_439 = vector.broadcast %reduce_sum3A_432 : f32 to vector<16xf32>
      %select_n3A_440 = arith.select %eq3A_436, %broadcast_in_dim3A_439, %get3A_438 : vector<16xi1>, vector<16xf32>
      %swap3A_441 = arith.constant 0 : index
      %swap3A_442 = tpu.vector_load %arg11[%swap3A_441] {strides = array<i32>} : memref<16xf32, #tpu.memory_space<vmem>>, vector<16xf32>,
      tpu.vector_store %arg11[%swap3A_441], %select_n3A_440 {strides = array<i32>} : memref<16xf32, #tpu.memory_space<vmem>>, vector<16xf32>,
      %eq3A_443 = arith.constant 15 : i32
      %eq3A_444 = arith.cmpi eq, %and3A_434, %eq3A_443 : i32
      %convert_element_type3A_445 = arith.extui %eq3A_444 : i1 to i32
      %cond3A_446 = arith.constant 0 : i32
      %cond3A_447 = arith.cmpi ne, %convert_element_type3A_445, %cond3A_446 : i32
      scf.if %cond3A_447 {
        %sub3A_479 = arith.constant 15 : i32
        %sub3A_480 = arith.subi %add3A_420, %sub3A_479 : i32
        %get3A_481 = arith.constant 0 : index
        %get3A_482 = tpu.vector_load %arg11[%get3A_481] {strides = array<i32>} : memref<16xf32, #tpu.memory_space<vmem>>, vector<16xf32>,
        %swap3A_483 = arith.index_cast %sub3A_480 : i32 to index
        %swap3A_484 = tpu.vector_load %arg12[%swap3A_483] {strides = array<i32>} : memref<256xf32, #tpu.memory_space<vmem>>, vector<16xf32>,
        tpu.vector_store %arg12[%swap3A_483], %get3A_482 {strides = array<i32>} : memref<256xf32, #tpu.memory_space<vmem>>, vector<16xf32>,
      } else {
      }
      %mul3A_448 = arith.constant 2 : i32
      %mul3A_449 = arith.muli %add3A_371, %mul3A_448 : i32
      %add3A_450 = arith.constant 1 : i32
      %add3A_451 = arith.addi %mul3A_449, %add3A_450 : i32
      %broadcast_in_dim3A_452 = arith.constant 0.000000e+00 : f32
      %broadcast_in_dim3A_453 = vector.broadcast %broadcast_in_dim3A_452 : f32 to vector<16xf32>
      %scan3A_454 = arith.constant 0 : i32
      %scan3A_455 = arith.constant 512 : i32
      %scan3A_456 = arith.addi %scan3A_454, %scan3A_455 : i32
      %scan3A_457 = arith.constant 8 : i32
      %scan3A_458 = scf.for %scan3A_479 = %scan3A_454 to %scan3A_456 step %scan3A_457 iter_args(%scan3A_480 = %broadcast_in_dim3A_453) -> (vector<16xf32>)  : i32 {
        %mul3A_481 = arith.constant 1 : i32
        %mul3A_482 = arith.muli %scan3A_479, %mul3A_481 : i32
        %add3A_483 = arith.constant 0 : i32
        %add3A_484 = arith.addi %add3A_483, %mul3A_482 : i32
        %mul3A_485 = arith.constant 16 : i32
        %mul3A_486 = arith.muli %add3A_484, %mul3A_485 : i32
        %get3A_487 = arith.constant 1 : i32
        %get3A_488 = arith.index_cast %get3A_487 : i32 to index
        %get3A_489 = arith.index_cast %mul3A_486 : i32 to index
        %get3A_490 = tpu.vector_load %arg16[%get3A_488, %get3A_489] {strides = array<i32>} : memref<2x8192xf32, #tpu.memory_space<vmem>>, vector<16xf32>,
        %exp3A = math.exp %get3A_490 : vector<16xf32>
        %add3A_491 = arith.addf %scan3A_480, %exp3A : vector<16xf32>
        %scan3A_492 = arith.constant 1 : i32
        %scan3A_493 = arith.addi %scan3A_479, %scan3A_492 : i32
        %mul3A_494 = arith.constant 1 : i32
        %mul3A_495 = arith.muli %scan3A_493, %mul3A_494 : i32
        %add3A_496 = arith.constant 0 : i32
        %add3A_497 = arith.addi %add3A_496, %mul3A_495 : i32
        %mul3A_498 = arith.constant 16 : i32
        %mul3A_499 = arith.muli %add3A_497, %mul3A_498 : i32
        %get3A_500 = arith.constant 1 : i32
        %get3A_501 = arith.index_cast %get3A_500 : i32 to index
        %get3A_502 = arith.index_cast %mul3A_499 : i32 to index
        %get3A_503 = tpu.vector_load %arg16[%get3A_501, %get3A_502] {strides = array<i32>} : memref<2x8192xf32, #tpu.memory_space<vmem>>, vector<16xf32>,
        %exp3A_504 = math.exp %get3A_503 : vector<16xf32>
        %add3A_505 = arith.addf %add3A_491, %exp3A_504 : vector<16xf32>
        %scan3A_506 = arith.constant 2 : i32
        %scan3A_507 = arith.addi %scan3A_479, %scan3A_506 : i32
        %mul3A_508 = arith.constant 1 : i32
        %mul3A_509 = arith.muli %scan3A_507, %mul3A_508 : i32
        %add3A_510 = arith.constant 0 : i32
        %add3A_511 = arith.addi %add3A_510, %mul3A_509 : i32
        %mul3A_512 = arith.constant 16 : i32
        %mul3A_513 = arith.muli %add3A_511, %mul3A_512 : i32
        %get3A_514 = arith.constant 1 : i32
        %get3A_515 = arith.index_cast %get3A_514 : i32 to index
        %get3A_516 = arith.index_cast %mul3A_513 : i32 to index
        %get3A_517 = tpu.vector_load %arg16[%get3A_515, %get3A_516] {strides = array<i32>} : memref<2x8192xf32, #tpu.memory_space<vmem>>, vector<16xf32>,
        %exp3A_518 = math.exp %get3A_517 : vector<16xf32>
        %add3A_519 = arith.addf %add3A_505, %exp3A_518 : vector<16xf32>
        %scan3A_520 = arith.constant 3 : i32
        %scan3A_521 = arith.addi %scan3A_479, %scan3A_520 : i32
        %mul3A_522 = arith.constant 1 : i32
        %mul3A_523 = arith.muli %scan3A_521, %mul3A_522 : i32
        %add3A_524 = arith.constant 0 : i32
        %add3A_525 = arith.addi %add3A_524, %mul3A_523 : i32
        %mul3A_526 = arith.constant 16 : i32
        %mul3A_527 = arith.muli %add3A_525, %mul3A_526 : i32
        %get3A_528 = arith.constant 1 : i32
        %get3A_529 = arith.index_cast %get3A_528 : i32 to index
        %get3A_530 = arith.index_cast %mul3A_527 : i32 to index
        %get3A_531 = tpu.vector_load %arg16[%get3A_529, %get3A_530] {strides = array<i32>} : memref<2x8192xf32, #tpu.memory_space<vmem>>, vector<16xf32>,
        %exp3A_532 = math.exp %get3A_531 : vector<16xf32>
        %add3A_533 = arith.addf %add3A_519, %exp3A_532 : vector<16xf32>
        %scan3A_534 = arith.constant 4 : i32
        %scan3A_535 = arith.addi %scan3A_479, %scan3A_534 : i32
        %mul3A_536 = arith.constant 1 : i32
        %mul3A_537 = arith.muli %scan3A_535, %mul3A_536 : i32
        %add3A_538 = arith.constant 0 : i32
        %add3A_539 = arith.addi %add3A_538, %mul3A_537 : i32
        %mul3A_540 = arith.constant 16 : i32
        %mul3A_541 = arith.muli %add3A_539, %mul3A_540 : i32
        %get3A_542 = arith.constant 1 : i32
        %get3A_543 = arith.index_cast %get3A_542 : i32 to index
        %get3A_544 = arith.index_cast %mul3A_541 : i32 to index
        %get3A_545 = tpu.vector_load %arg16[%get3A_543, %get3A_544] {strides = array<i32>} : memref<2x8192xf32, #tpu.memory_space<vmem>>, vector<16xf32>,
        %exp3A_546 = math.exp %get3A_545 : vector<16xf32>
        %add3A_547 = arith.addf %add3A_533, %exp3A_546 : vector<16xf32>
        %scan3A_548 = arith.constant 5 : i32
        %scan3A_549 = arith.addi %scan3A_479, %scan3A_548 : i32
        %mul3A_550 = arith.constant 1 : i32
        %mul3A_551 = arith.muli %scan3A_549, %mul3A_550 : i32
        %add3A_552 = arith.constant 0 : i32
        %add3A_553 = arith.addi %add3A_552, %mul3A_551 : i32
        %mul3A_554 = arith.constant 16 : i32
        %mul3A_555 = arith.muli %add3A_553, %mul3A_554 : i32
        %get3A_556 = arith.constant 1 : i32
        %get3A_557 = arith.index_cast %get3A_556 : i32 to index
        %get3A_558 = arith.index_cast %mul3A_555 : i32 to index
        %get3A_559 = tpu.vector_load %arg16[%get3A_557, %get3A_558] {strides = array<i32>} : memref<2x8192xf32, #tpu.memory_space<vmem>>, vector<16xf32>,
        %exp3A_560 = math.exp %get3A_559 : vector<16xf32>
        %add3A_561 = arith.addf %add3A_547, %exp3A_560 : vector<16xf32>
        %scan3A_562 = arith.constant 6 : i32
        %scan3A_563 = arith.addi %scan3A_479, %scan3A_562 : i32
        %mul3A_564 = arith.constant 1 : i32
        %mul3A_565 = arith.muli %scan3A_563, %mul3A_564 : i32
        %add3A_566 = arith.constant 0 : i32
        %add3A_567 = arith.addi %add3A_566, %mul3A_565 : i32
        %mul3A_568 = arith.constant 16 : i32
        %mul3A_569 = arith.muli %add3A_567, %mul3A_568 : i32
        %get3A_570 = arith.constant 1 : i32
        %get3A_571 = arith.index_cast %get3A_570 : i32 to index
        %get3A_572 = arith.index_cast %mul3A_569 : i32 to index
        %get3A_573 = tpu.vector_load %arg16[%get3A_571, %get3A_572] {strides = array<i32>} : memref<2x8192xf32, #tpu.memory_space<vmem>>, vector<16xf32>,
        %exp3A_574 = math.exp %get3A_573 : vector<16xf32>
        %add3A_575 = arith.addf %add3A_561, %exp3A_574 : vector<16xf32>
        %scan3A_576 = arith.constant 7 : i32
        %scan3A_577 = arith.addi %scan3A_479, %scan3A_576 : i32
        %mul3A_578 = arith.constant 1 : i32
        %mul3A_579 = arith.muli %scan3A_577, %mul3A_578 : i32
        %add3A_580 = arith.constant 0 : i32
        %add3A_581 = arith.addi %add3A_580, %mul3A_579 : i32
        %mul3A_582 = arith.constant 16 : i32
        %mul3A_583 = arith.muli %add3A_581, %mul3A_582 : i32
        %get3A_584 = arith.constant 1 : i32
        %get3A_585 = arith.index_cast %get3A_584 : i32 to index
        %get3A_586 = arith.index_cast %mul3A_583 : i32 to index
        %get3A_587 = tpu.vector_load %arg16[%get3A_585, %get3A_586] {strides = array<i32>} : memref<2x8192xf32, #tpu.memory_space<vmem>>, vector<16xf32>,
        %exp3A_588 = math.exp %get3A_587 : vector<16xf32>
        %add3A_589 = arith.addf %add3A_575, %exp3A_588 : vector<16xf32>
        scf.yield %add3A_589 : vector<16xf32>
      }
      %scan3A_459 = arith.constant 512 : i32
      %reduce_sum3A_460 = arith.constant true
      %reduce_sum3A_461 = vector.broadcast %reduce_sum3A_460 : i1 to vector<16xi1>
      %reduce_sum3A_462 = tpu.scan <sum>, %scan3A_458 masked %reduce_sum3A_461 : vector<16xf32>, vector<16xi1> -> vector<16xf32>
      %reduce_sum3A_463 = vector.extract %reduce_sum3A_462[15] : f32 from vector<16xf32>
      %and3A_464 = arith.constant 15 : i32
      %and3A_465 = arith.andi %add3A_451, %and3A_464 : i32
      %eq3A_466 = vector.broadcast %and3A_465 : i32 to vector<16xi32>
      %eq3A_467 = arith.cmpi eq, %iota3A, %eq3A_466 : vector<16xi32>
      %get3A_468 = arith.constant 0 : index
      %get3A_469 = tpu.vector_load %arg11[%get3A_468] {strides = array<i32>} : memref<16xf32, #tpu.memory_space<vmem>>, vector<16xf32>,
      %broadcast_in_dim3A_470 = vector.broadcast %reduce_sum3A_463 : f32 to vector<16xf32>
      %select_n3A_471 = arith.select %eq3A_467, %broadcast_in_dim3A_470, %get3A_469 : vector<16xi1>, vector<16xf32>
      %swap3A_472 = arith.constant 0 : index
      %swap3A_473 = tpu.vector_load %arg11[%swap3A_472] {strides = array<i32>} : memref<16xf32, #tpu.memory_space<vmem>>, vector<16xf32>,
      tpu.vector_store %arg11[%swap3A_472], %select_n3A_471 {strides = array<i32>} : memref<16xf32, #tpu.memory_space<vmem>>, vector<16xf32>,
      %eq3A_474 = arith.constant 15 : i32
      %eq3A_475 = arith.cmpi eq, %and3A_465, %eq3A_474 : i32
      %convert_element_type3A_476 = arith.extui %eq3A_475 : i1 to i32
      %cond3A_477 = arith.constant 0 : i32
      %cond3A_478 = arith.cmpi ne, %convert_element_type3A_476, %cond3A_477 : i32
      scf.if %cond3A_478 {
        %sub3A_479 = arith.constant 15 : i32
        %sub3A_480 = arith.subi %add3A_451, %sub3A_479 : i32
        %get3A_481 = arith.constant 0 : index
        %get3A_482 = tpu.vector_load %arg11[%get3A_481] {strides = array<i32>} : memref<16xf32, #tpu.memory_space<vmem>>, vector<16xf32>,
        %swap3A_483 = arith.index_cast %sub3A_480 : i32 to index
        %swap3A_484 = tpu.vector_load %arg12[%swap3A_483] {strides = array<i32>} : memref<256xf32, #tpu.memory_space<vmem>>, vector<16xf32>,
        tpu.vector_store %arg12[%swap3A_483], %get3A_482 {strides = array<i32>} : memref<256xf32, #tpu.memory_space<vmem>>, vector<16xf32>,
      } else {
      }
    }
    %scan3A_25 = arith.constant 32 : i32
    "tpu.region"() ({
      %run_scoped3A = tpu.sem_alloc : memref<!tpu.dma_semaphore, #tpu.memory_space<semaphore_mem>>
      %dma_start3A_49 = arith.constant 0 : i32
      %dma_start3A_50 = tpu.memref_slice %arg6[%add3A, %dma_start3A_49] : memref<32x16xf32, #tpu.memory_space<hbm>> -> memref<1x16xf32, #tpu.memory_space<hbm>>
      %dma_start3A_51 = tpu.memref_squeeze %dma_start3A_50 : memref<1x16xf32, #tpu.memory_space<hbm>> -> memref<16xf32, #tpu.memory_space<hbm>>
      %dma_start3A_52 = arith.constant 0 : i32
      %dma_start3A_53 = tpu.memref_slice %arg6[%add3A, %dma_start3A_52] : memref<32x16xf32, #tpu.memory_space<hbm>> -> memref<1x16xf32, #tpu.memory_space<hbm>>
      %dma_start3A_54 = tpu.memref_squeeze %dma_start3A_53 : memref<1x16xf32, #tpu.memory_space<hbm>> -> memref<16xf32, #tpu.memory_space<hbm>>
      tpu.enqueue_dma source(%arg10 : memref<16xf32, #tpu.memory_space<vmem>>) target(%dma_start3A_54 : memref<16xf32, #tpu.memory_space<hbm>>) target_semaphore(%run_scoped3A : memref<!tpu.dma_semaphore, #tpu.memory_space<semaphore_mem>>)
      %dma_wait3A_55 = arith.constant 0 : i32
      %dma_wait3A_56 = tpu.memref_slice %arg6[%add3A, %dma_wait3A_55] : memref<32x16xf32, #tpu.memory_space<hbm>> -> memref<1x16xf32, #tpu.memory_space<hbm>>
      %dma_wait3A_57 = tpu.memref_squeeze %dma_wait3A_56 : memref<1x16xf32, #tpu.memory_space<hbm>> -> memref<16xf32, #tpu.memory_space<hbm>>
      %dma_wait3A_58 = arith.constant 0 : i32
      %dma_wait3A_59 = tpu.memref_slice %arg6[%add3A, %dma_wait3A_58] : memref<32x16xf32, #tpu.memory_space<hbm>> -> memref<1x16xf32, #tpu.memory_space<hbm>>
      %dma_wait3A_60 = tpu.memref_squeeze %dma_wait3A_59 : memref<1x16xf32, #tpu.memory_space<hbm>> -> memref<16xf32, #tpu.memory_space<hbm>>
      tpu.wait_dma2 semaphore(%run_scoped3A : memref<!tpu.dma_semaphore, #tpu.memory_space<semaphore_mem>>) src(%arg10 : memref<16xf32, #tpu.memory_space<vmem>>) dst(%dma_wait3A_60 : memref<16xf32, #tpu.memory_space<hbm>>)
      tpu.yield
    }) : () -> ()
    "tpu.region"() ({
      %run_scoped3A = tpu.sem_alloc : memref<!tpu.dma_semaphore, #tpu.memory_space<semaphore_mem>>
      %dma_start3A_49 = arith.constant 0 : i32
      %dma_start3A_50 = tpu.memref_slice %arg7[%add3A, %dma_start3A_49] : memref<32x256xf32, #tpu.memory_space<hbm>> -> memref<1x256xf32, #tpu.memory_space<hbm>>
      %dma_start3A_51 = tpu.memref_squeeze %dma_start3A_50 : memref<1x256xf32, #tpu.memory_space<hbm>> -> memref<256xf32, #tpu.memory_space<hbm>>
      %dma_start3A_52 = arith.constant 0 : i32
      %dma_start3A_53 = tpu.memref_slice %arg7[%add3A, %dma_start3A_52] : memref<32x256xf32, #tpu.memory_space<hbm>> -> memref<1x256xf32, #tpu.memory_space<hbm>>
      %dma_start3A_54 = tpu.memref_squeeze %dma_start3A_53 : memref<1x256xf32, #tpu.memory_space<hbm>> -> memref<256xf32, #tpu.memory_space<hbm>>
      tpu.enqueue_dma source(%arg12 : memref<256xf32, #tpu.memory_space<vmem>>) target(%dma_start3A_54 : memref<256xf32, #tpu.memory_space<hbm>>) target_semaphore(%run_scoped3A : memref<!tpu.dma_semaphore, #tpu.memory_space<semaphore_mem>>)
      %dma_wait3A_55 = arith.constant 0 : i32
      %dma_wait3A_56 = tpu.memref_slice %arg7[%add3A, %dma_wait3A_55] : memref<32x256xf32, #tpu.memory_space<hbm>> -> memref<1x256xf32, #tpu.memory_space<hbm>>
      %dma_wait3A_57 = tpu.memref_squeeze %dma_wait3A_56 : memref<1x256xf32, #tpu.memory_space<hbm>> -> memref<256xf32, #tpu.memory_space<hbm>>
      %dma_wait3A_58 = arith.constant 0 : i32
      %dma_wait3A_59 = tpu.memref_slice %arg7[%add3A, %dma_wait3A_58] : memref<32x256xf32, #tpu.memory_space<hbm>> -> memref<1x256xf32, #tpu.memory_space<hbm>>
      %dma_wait3A_60 = tpu.memref_squeeze %dma_wait3A_59 : memref<1x256xf32, #tpu.memory_space<hbm>> -> memref<256xf32, #tpu.memory_space<hbm>>
      tpu.wait_dma2 semaphore(%run_scoped3A : memref<!tpu.dma_semaphore, #tpu.memory_space<semaphore_mem>>) src(%arg12 : memref<256xf32, #tpu.memory_space<vmem>>) dst(%dma_wait3A_60 : memref<256xf32, #tpu.memory_space<hbm>>)
      tpu.yield
    }) : () -> ()
    %add3A_26 = arith.constant 248 : i32
    %add3A_27 = arith.addi %mul3A_2, %add3A_26 : i32
    %dma_wait3A = arith.constant 0 : i32
    %dma_wait3A_28 = tpu.memref_slice %arg5[%add3A_27, %dma_wait3A] : memref<8192x8192xf32, #tpu.memory_space<hbm>> -> memref<2x8192xf32, #tpu.memory_space<hbm>>
    %dma_wait3A_29 = arith.constant 0 : i32
    %dma_wait3A_30 = tpu.memref_slice %arg5[%add3A_27, %dma_wait3A_29] : memref<8192x8192xf32, #tpu.memory_space<hbm>> -> memref<2x8192xf32, #tpu.memory_space<hbm>>
    tpu.wait_dma2 semaphore(%arg21 : memref<!tpu.dma_semaphore, #tpu.memory_space<semaphore_mem>>) src(%arg13 : memref<2x8192xf32, #tpu.memory_space<vmem>>) dst(%dma_wait3A_30 : memref<2x8192xf32, #tpu.memory_space<hbm>>)
    %add3A_31 = arith.constant 250 : i32
    %add3A_32 = arith.addi %mul3A_2, %add3A_31 : i32
    %dma_wait3A_33 = arith.constant 0 : i32
    %dma_wait3A_34 = tpu.memref_slice %arg5[%add3A_32, %dma_wait3A_33] : memref<8192x8192xf32, #tpu.memory_space<hbm>> -> memref<2x8192xf32, #tpu.memory_space<hbm>>
    %dma_wait3A_35 = arith.constant 0 : i32
    %dma_wait3A_36 = tpu.memref_slice %arg5[%add3A_32, %dma_wait3A_35] : memref<8192x8192xf32, #tpu.memory_space<hbm>> -> memref<2x8192xf32, #tpu.memory_space<hbm>>
    tpu.wait_dma2 semaphore(%arg22 : memref<!tpu.dma_semaphore, #tpu.memory_space<semaphore_mem>>) src(%arg14 : memref<2x8192xf32, #tpu.memory_space<vmem>>) dst(%dma_wait3A_36 : memref<2x8192xf32, #tpu.memory_space<hbm>>)
    %add3A_37 = arith.constant 252 : i32
    %add3A_38 = arith.addi %mul3A_2, %add3A_37 : i32
    %dma_wait3A_39 = arith.constant 0 : i32
    %dma_wait3A_40 = tpu.memref_slice %arg5[%add3A_38, %dma_wait3A_39] : memref<8192x8192xf32, #tpu.memory_space<hbm>> -> memref<2x8192xf32, #tpu.memory_space<hbm>>
    %dma_wait3A_41 = arith.constant 0 : i32
    %dma_wait3A_42 = tpu.memref_slice %arg5[%add3A_38, %dma_wait3A_41] : memref<8192x8192xf32, #tpu.memory_space<hbm>> -> memref<2x8192xf32, #tpu.memory_space<hbm>>
    tpu.wait_dma2 semaphore(%arg23 : memref<!tpu.dma_semaphore, #tpu.memory_space<semaphore_mem>>) src(%arg15 : memref<2x8192xf32, #tpu.memory_space<vmem>>) dst(%dma_wait3A_42 : memref<2x8192xf32, #tpu.memory_space<hbm>>)
    %add3A_43 = arith.constant 254 : i32
    %add3A_44 = arith.addi %mul3A_2, %add3A_43 : i32
    %dma_wait3A_45 = arith.constant 0 : i32
    %dma_wait3A_46 = tpu.memref_slice %arg5[%add3A_44, %dma_wait3A_45] : memref<8192x8192xf32, #tpu.memory_space<hbm>> -> memref<2x8192xf32, #tpu.memory_space<hbm>>
    %dma_wait3A_47 = arith.constant 0 : i32
    %dma_wait3A_48 = tpu.memref_slice %arg5[%add3A_44, %dma_wait3A_47] : memref<8192x8192xf32, #tpu.memory_space<hbm>> -> memref<2x8192xf32, #tpu.memory_space<hbm>>
    tpu.wait_dma2 semaphore(%arg24 : memref<!tpu.dma_semaphore, #tpu.memory_space<semaphore_mem>>) src(%arg16 : memref<2x8192xf32, #tpu.memory_space<vmem>>) dst(%dma_wait3A_48 : memref<2x8192xf32, #tpu.memory_space<hbm>>)
    return
  }
}

module attributes {stable_mosaic.version = 14 : i64} {
  func.func @_tc_finish_body(%arg0: memref<32x16xf32, #tpu.memory_space<vmem>>, %arg1: memref<32x256xf32, #tpu.memory_space<vmem>>, %arg2: memref<8x128xf32, #tpu.memory_space<vmem>>) attributes {dimension_semantics = [], scalar_prefetch = 0 : i64, scratch_operands = 0 : i64, tpu.core_type = #tpu.core_type<tc>} {
    %get3A = arith.constant 0 : index
    %get3A_0 = arith.constant 0 : index
    %get3A_1 = vector.load %arg1[%get3A, %get3A_0] : memref<32x256xf32, #tpu.memory_space<vmem>>, vector<32x256xf32>
    %log3A = math.log %get3A_1 : vector<32x256xf32>
    %reduce_sum3A = vector.shape_cast %log3A : vector<32x256xf32> to vector<1x32x256xf32>
    %reduce_sum3A_2 = arith.constant dense<0.000000e+00> : vector<1xf32>
    %reduce_sum3A_3 = vector.multi_reduction <add>, %reduce_sum3A, %reduce_sum3A_2 [1, 2] : vector<1x32x256xf32> to vector<1xf32>
    %reduce_sum3A_4 = vector.shape_cast %reduce_sum3A_3 : vector<1xf32> to vector<1x1x1xf32>
    %reduce_sum3A_5 = vector.extract %reduce_sum3A_4[0, 0, 0] : f32 from vector<1x1x1xf32>
    %get3A_6 = arith.constant 0 : index
    %get3A_7 = arith.constant 0 : index
    %get3A_8 = vector.load %arg0[%get3A_6, %get3A_7] : memref<32x16xf32, #tpu.memory_space<vmem>>, vector<32x16xf32>
    %reduce_sum3A_9 = vector.shape_cast %get3A_8 : vector<32x16xf32> to vector<1x32x16xf32>
    %reduce_sum3A_10 = arith.constant dense<0.000000e+00> : vector<1xf32>
    %reduce_sum3A_11 = vector.multi_reduction <add>, %reduce_sum3A_9, %reduce_sum3A_10 [1, 2] : vector<1x32x16xf32> to vector<1xf32>
    %reduce_sum3A_12 = vector.shape_cast %reduce_sum3A_11 : vector<1xf32> to vector<1x1x1xf32>
    %reduce_sum3A_13 = vector.extract %reduce_sum3A_12[0, 0, 0] : f32 from vector<1x1x1xf32>
    %sub3A = arith.subf %reduce_sum3A_5, %reduce_sum3A_13 : f32
    %div3A = arith.constant 8.192000e+03 : f32
    %div3A_14 = arith.divf %sub3A, %div3A : f32
    %broadcast_in_dim3A = vector.broadcast %div3A_14 : f32 to vector<8x128xf32>
    %swap3A = arith.constant 0 : index
    %swap3A_15 = arith.constant 0 : index
    %swap3A_16 = vector.load %arg2[%swap3A, %swap3A_15] : memref<8x128xf32, #tpu.memory_space<vmem>>, vector<8x128xf32>
    tpu.vector_store %arg2[%swap3A, %swap3A_15], %broadcast_in_dim3A {strides = array<i32>} : memref<8x128xf32, #tpu.memory_space<vmem>>, vector<8x128xf32>,
    return
  }
}

</mosaic_0001>

<sc_bundles>
// kernel: kernel.4.cloned.1.call-start
scs
__scs_entry_jumppad:
0x0: {  	(pc) =	sbr.rel $0x88, $3  }
0x1: {  	(tag) =	ssettag $0x0;
	lr =	simm.s32 $0x1  }
0x2: {  	[smem:$0x3F9E] =	sst lr;
	_ =	strace $0xD0000000  }
0x3: {  	_ = 	snop  }
0x4: {  	_ = 	snop  }
0x5: {  	_ = 	snop  }
0x6: {  	_ = 	snop  }
0x7: {  	_ = 	snop  }
__scs_overlays_trampoline_lowered:
0x8: {  	[smem:$0x3FAD] =	sst s0  }
0x9: {  	[smem:$0x3FAE] =	sst s1  }
0xa: {  	[smem:$0x3FAF] =	sst s2  }
0xb: {  	[smem:$0x3FB0] =	sst s3  }
0xc: {  	[smem:$0x3FB1] =	sst s4  }
0xd: {  	[smem:$0x3FB2] =	sst s5  }
0xe: {  	[smem:$0x3FB3] =	sst s6  }
0xf: {  	[smem:$0x3FB4] =	sst s7  }
0x10: {  	[smem:$0x3FB5] =	sst s8  }
0x11: {  	[smem:$0x3FB6] =	sst s9;
	s0 =	simm.s32 @!p0 $0x0  }
0x12: {  	s1 =	sld [smem:$0x3F9C];
	s0 =	simm.s32 @p0 $0x1  }
0x13: {  	[smem:$0x3FB7] =	sst s0;
	s0 =	simm.s32 @!p1 $0x0  }
0x14: {  	s2 =	sld [smem:$0x3F9B];
	s0 =	simm.s32 @p1 $0x1  }
0x15: {  	[smem:$0x3FB8] =	sst s0;
	s0 =	simm.s32 @!p2 $0x0  }
0x16: {  	s3 =	sld [smem:$0x3FDB];
	s0 =	simm.s32 @p2 $0x1  }
0x17: {  	s4 =	simm.s32 $0x1BF5;
	[smem:$0x3FBA] =	sst s0  }
0x18: {  	s0 =	sld [smem:$0x3F9D];
	_ =	swait.ge [sflag:s4], $0x0  }
0x19: {  	s7 =	sld [smem:$0x3F9E]  }
0x1a: {  	s8 =	sadd.s32 $0xFFFFE003, lr  }
0x1b: {  	s9 =	sadd.s32 $0xFFFFFEF7, lr;
	s5 =	simm.s32 $0xFFFFFFFF;
	p2 =	slt.u32 s8, $0xFFFFF086  }
0x1c: {  	p1 =	slt.u32 s9, $0xF7A;
	s5 =	simm.s32 @!p2 $0x0  }
0x1d: {  	s5 =	simm.s32 @p1 $0x1;
	p0 =	seq.s32 s7, s2  }
0x1e: {  	s7 =	smul.u32 @!p0 $0xF7A, s2;
	p2 =	seq.s32 @!p0 s5, $0x0  }
0x1f: {  	s9 =	smul.u32 $0xF7A, s1;
	s8 =	simm.s32 @!p0 $0x1BF5;
	p2 =	por !p2, p0  }
0x20: {  	[sflag:s8] =	ssyncset.s32 @!p0 $0xFFFFF086;
	s6 =	sadd.s32 @!p0 s3, s7;
	s7 =	simm.s32 @!p0 $0x108  }
0x21: {  	s3 =	sadd.s32 s3, s9;
	s6 =	sadd.s32 @!p0 $0x88, s6;
	s7 =	simm.s32 @p2 $0x1082  }
0x22: {  	[simem:s7], [sflag:s8] =	dma.local @!p0 [hbm:s6], $0xF7A  }
0x23: {  	s9 =	sor.u32 $0xD0000000, s2;
	s6 =	simm.s32 $0x108;
	_ =	swait.ge @!p0 [sflag:s8], $0x0  }
0x24: {  	s3 =	sadd.s32 $0x88, s3;
	s6 =	simm.s32 @!p1 $0x1082;
	[sflag:s4] =	ssyncset.s32 $0xFFFFF086  }
0x25: {  	[simem:s6], [sflag:s4] =	dma.local [hbm:s3], $0xF7A  }
0x26: {  	[smem:$0x3F9E] =	sst s1;
	(tag) =	ssettag s2;
	_ =	strace s9  }
0x27: {  	s1 =	sld [smem:$0x3FAE]  }
0x28: {  	s2 =	sld [smem:$0x3FAF]  }
0x29: {  	s4 =	sld [smem:$0x3FB1]  }
0x2a: {  	p0 =	seq.s32 s5, $0x0;
	s5 =	sld [smem:$0x3FB2]  }
0x2b: {  	s6 =	sld [smem:$0x3FB3]  }
0x2c: {  	s7 =	sld [smem:$0x3FB4]  }
0x2d: {  	s3 =	simm.s32 $0x108;
	s8 =	sld [smem:$0x3FB5]  }
0x2e: {  	s3 =	simm.s32 @!p0 $0x1082;
	s9 =	sld [smem:$0x3FB6]  }
0x2f: {  	lr =	sadd.s32 s0, s3;
	s0 =	sld [smem:$0x3FAD]  }
0x30: {  	s3 =	sld [smem:$0x3FB0]  }
0x31: {  	[smem:$0x3FB9] =	sst s10  }
0x32: {  	s10 =	sld [smem:$0x3FB7];
	_ =	sdelay $0x3  }
0x33: {  	p0 =	seq.s32 s10, $0x1;
	s10 =	sld [smem:$0x3FB9];
	_ =	sdelay $0x3  }
0x34: {  	[smem:$0x3FB9] =	sst s10  }
0x35: {  	s10 =	sld [smem:$0x3FB8];
	_ =	sdelay $0x3  }
0x36: {  	p1 =	seq.s32 s10, $0x1;
	s10 =	sld [smem:$0x3FB9];
	_ =	sdelay $0x3  }
0x37: {  	[smem:$0x3FB9] =	sst s10  }
0x38: {  	s10 =	sld [smem:$0x3FBA]  }
0x39: {  	_ = 	snop;
	(pc) =	sbr.ind lr, $3  }
0x3a: {  	_ = 	snop  }
0x3b: {  	_ = 	snop  }
0x3c: {  	p2 =	seq.s32 s10, $0x1;
	s10 =	sld [smem:$0x3FB9]  }
0x3d: {  	_ =	shalt  }
0x3e: {  	_ =	shalt  }
0x3f: {  	_ =	shalt  }
0x40: {  	_ =	shalt  }
0x41: {  	_ =	shalt  }
0x42: {  	_ =	shalt  }
0x43: {  	_ =	shalt  }
0x44: {  	_ =	shalt  }
0x45: {  	_ =	shalt  }
0x46: {  	_ =	shalt  }
0x47: {  	_ =	shalt  }
0x48: {  	_ =	shalt  }
0x49: {  	_ =	shalt  }
0x4a: {  	_ =	shalt  }
0x4b: {  	_ =	shalt  }
0x4c: {  	_ =	shalt  }
0x4d: {  	_ =	shalt  }
0x4e: {  	_ =	shalt  }
0x4f: {  	_ =	shalt  }
0x50: {  	_ =	shalt  }
0x51: {  	_ =	shalt  }
0x52: {  	_ =	shalt  }
0x53: {  	_ =	shalt  }
0x54: {  	_ =	shalt  }
0x55: {  	_ =	shalt  }
0x56: {  	_ =	shalt  }
0x57: {  	_ =	shalt  }
0x58: {  	_ =	shalt  }
0x59: {  	_ =	shalt  }
0x5a: {  	_ =	shalt  }
0x5b: {  	_ =	shalt  }
0x5c: {  	_ =	shalt  }
0x5d: {  	_ =	shalt  }
0x5e: {  	_ =	shalt  }
0x5f: {  	_ =	shalt  }
0x60: {  	_ =	shalt  }
0x61: {  	_ =	shalt  }
0x62: {  	_ =	shalt  }
0x63: {  	_ =	shalt  }
0x64: {  	_ =	shalt  }
0x65: {  	_ =	shalt  }
0x66: {  	_ =	shalt  }
0x67: {  	_ =	shalt  }
0x68: {  	_ =	shalt  }
0x69: {  	_ =	shalt  }
0x6a: {  	_ =	shalt  }
0x6b: {  	_ =	shalt  }
0x6c: {  	_ =	shalt  }
0x6d: {  	_ =	shalt  }
0x6e: {  	_ =	shalt  }
0x6f: {  	_ =	shalt  }
0x70: {  	_ =	shalt  }
0x71: {  	_ =	shalt  }
0x72: {  	_ =	shalt  }
0x73: {  	_ =	shalt  }
0x74: {  	_ =	shalt  }
0x75: {  	_ =	shalt  }
0x76: {  	_ =	shalt  }
0x77: {  	_ =	shalt  }
0x78: {  	_ =	shalt  }
0x79: {  	_ =	shalt  }
0x7a: {  	_ =	shalt  }
0x7b: {  	_ =	shalt  }
0x7c: {  	_ =	shalt  }
0x7d: {  	_ =	shalt  }
0x7e: {  	_ =	shalt  }
0x7f: {  	_ =	shalt  }
0x80: {  	_ =	shalt  }
0x81: {  	_ =	shalt  }
0x82: {  	_ =	shalt  }
0x83: {  	_ =	shalt  }
0x84: {  	_ =	shalt  }
0x85: {  	_ =	shalt  }
0x86: {  	_ =	shalt  }
0x87: {  	_ =	shalt  }
.Lfunc_end0:
.L_simem_size_0:
called_computation_lowered:
.L_overlay_start_0:
0x88: {  	s2 =	sld [smem:$0x3FD9]  }
0x89: {  	s3 =	sld [smem:$0x3FFE];
	_ =	sdelay $0x1  }
0x8a: {  	s1 =	srdreg.scid  }
0x8b: {  	s0 =	sand.u32 $0x1, s1  }
0x8c: {  	s14 =	sshll.u32 s0, $0xA;
	s2 =	sadd.s32 s3, s2  }
0x8d: {  	s2 =	sadd.s32 s2, s14  }
0x8e: {  	[smem:$0x3FC5] =	sst s2  }
0x8f: {  	_ = 	snop  }
0x90: {  	s2 =	sld [smem:$0x3FD0];
	_ =	sdelay $0x1  }
0x91: {  	s15 =	sld [smem:$0x3FC8]  }
0x92: {  	s5 =	simm.s32 $0xA;
	s6 =	simm.s32 $0x10;
	s4 =	sld [smem:$0x3FC7]  }
0x93: {  	[smem:s6], [sflag:s5] =	dma.local [hbm:s2], $0x1  }
0x94: {  	_ =	swait.eq [sflag:s5], $0x1  }
0x95: {  	[sflag:s5] =	ssyncset.done $0x0  }
0x96: {  	[sflag:s5] =	ssyncadd.s32 $0xFFFFFFFF  }
0x97: {  	s16 =	sld [smem:$0x10];
	(tm) =	ssettm $0x1  }
0x98: {  	s17 =	sld [smem:$0x3FFB];
	_ =	sdelay $0x3  }
0x99: {  	_ =	strace s17  }
0x9a: {  	s5 =	sld [smem:$0x3FFC];
	_ =	sdelay $0x3  }
0x9b: {  	_ =	strace s5  }
0x9c: {  	s5 =	sld [smem:$0x3FFD];
	_ =	sdelay $0x3  }
0x9d: {  	_ =	strace s5  }
0x9e: {  	_ =	strace $0x8FFFFFFF  }
0x9f: {  	s18 =	sld [smem:$0x3FDB];
	_ =	sdelay $0x1  }
0xa0: {  	s19 =	simm.s32 $_scs_section_size  }
0xa1: {  	s7 =	simm.s32 $_size__tile_overlayer_lowered;
	s8 =	simm.s32 $_tile_overlayer_lowered  }
0xa2: {  	s22 =	simm.s32 $0x1BFF;
	s21 =	sshll.u32 s8, $0x1;
	s5 =	sadd.s32 s19, s18  }
0xa3: {  	s9 =	simm.s32 $0x0;
	s20 =	sshll.u32 s7, $0x1;
	s7 =	sadd.s32 s21, s5  }
0xa4: {  	[timem:s9], [sflag:s22] =	dma.local [hbm:s7], s20  }
0xa5: {  	_ =	swait.ge [sflag:s22], s20  }
0xa6: {  	s6 =	ssub.s32 $0x0, s20;
	[sflag:s22] =	ssyncset.done $0x0  }
0xa7: {  	[sflag:s22] =	ssyncadd.s32 s6;
	_ =	sdelay $0x1  }
0xa8: {  	s23 =	simm.s32 $0x1B8B  }
0xa9: {  	_ =	swait.ge [sflag:s23], $0x1  }
0xaa: {  	[sflag:s23] =	ssyncset.done $0x0  }
0xab: {  	s25 =	simm.s32 $0x1B8E;
	s24 =	sld [smem:$0x3FFE];
	[sflag:s23] =	ssyncadd.s32 $0xFFFFFFFF  }
0xac: {  	s26 =	simm.s32 $execute0_lowered;
	[smem:$0x3FD2] =	sst s25  }
0xad: {  	s7 =	sshll.u32 s26, $0x1;
	_ =	strace $0x80000046;
	[dreg:$0x1] =	wrdreg $0xFFFFFFFF  }
0xae: {  	s28 =	simm.s32 $_size_execute0_lowered;
	s5 =	sadd.s32 s5, s7;
	[dreg:$0x0] =	wrdreg $0x0  }
0xaf: {  	s7 =	sshll.u32 s28, $0x1;
	[dreg:$0x2] =	wrdreg s5  }
0xb0: {  	[dreg:$0x3] =	wrdreg s7  }
0xb1: {  	[dreg:$0x4] =	wrdreg $0xC0  }
0xb2: {  	_ =	task [dreg:s9], $0x5FFFF  }
0xb3: {  	[dreg:$0x1] =	wrdreg $0xFFFFFFFF  }
0xb4: {  	[dreg:$0x0] =	wrdreg $0x60  }
0xb5: {  	[dreg:$0x2] =	wrdreg s24  }
0xb6: {  	[dreg:$0x3] =	wrdreg s15  }
0xb7: {  	[dreg:$0x4] =	wrdreg s4  }
0xb8: {  	[dreg:$0x5] =	wrdreg s16  }
0xb9: {  	[dreg:$0x6] =	wrdreg $0x9  }
0xba: {  	_ =	task.clear_ibuf [dreg:s9], $0x7FFFF;
	_ =	strace $0x90000046  }
0xbb: {  	s29 =	simm.s32 $0x9;
	_ =	strace $0x80000048  }
0xbc: {  	_ =	swait.ge [sflag:s29], $0x1  }
0xbd: {  	[sflag:s29] =	ssyncadd.s32 $0xFFFFFFFF  }
0xbe: {  	_ =	strace $0x90000048  }
0xbf: {  	_ =	sfence  }
0xc0: {  	s30 =	sld [smem:$0x0];
	_ =	sdelay $0x2  }
0xc1: {  	s31 =	sshll.u32 s1, $0xD;
	s1 =	sshrl.u32 s1, $0x2  }
0xc2: {  	s3 =	sand.u32 $0x4000, s31;
	s1 =	sadd.s32 s1, s30  }
0xc3: {  	s0 =	sor.u32 s3, s0;
	s1 =	sshll.u32 s1, $0x11  }
0xc4: {  	s0 =	sor.u32 s1, s0  }
0xc5: {  	s0 =	sadd.s32 $0x8F2B, s0  }
0xc6: {  	[sflag:s0] =	ssyncadd.remote.s32 $0x1  }
0xc7: {  	_ =	sfence.sel $0xFFFF  }
0xc8: {  	[dreg:$0x0] =	wrdreg $0xFFFFFFFF;
	(pc) =	sbr.abs _section_cstart, $3  }
0xc9: {  	[dreg:$0x1] =	wrdreg $0xFFFFFFFF  }
0xca: {  	_ =	task.clear_ibuf [dreg:s9], $0x2FFFF;
	_ =	strace $0x9FFFFFFF  }
0xcb: {  	(tm) =	ssettm $0x7FFFFFFF  }
tec
execute0_lowered:
.L_overlay_start_1:
0x0: {  	(tag) =	ssettag $0x1  }
0x1: {  	s0 =	rddreg [dreg:$0x0]  }
0x2: {  	s2 =	rddreg [dreg:$0x1]  }
0x3: {  	s1 =	rddreg [dreg:$0x2]  }
0x4: {  	s16 =	rddreg [dreg:$0x3];
	s4 =	simm.s32 $0x0;
	s3 =	srdreg.scid  }
0x5: {  	s7 =	stileid.u32;
	s22 =	simm.s32 $0x4000;
	s31 =	simm.s32 $0x1  }
0x6: {  	s19 =	simm.s32 $0x4100;
	s20 =	simm.s32 $0x2;
	s21 =	simm.s32 $0x10300  }
0x7: {  	s18 =	simm.s32 $0x3;
	[smem:$0x7FF] =	sst s4;
	s3 =	sand.u32 $0x1, s3  }
0x8: {  	s5 =	sshll.u32 s7, $0x1;
	s7 =	sshrl.u32 s7, $0x2;
	s11 =	sadd.s32 $0x1000, s1  }
0x9: {  	s12 =	sadd.s32 $0x1400, s1;
	s13 =	sadd.s32 $0x1800, s1;
	s14 =	sadd.s32 $0x1C00, s1  }
0xa: {  	s26 =	sadd.s32 $0x20, s16;
	s28 =	sadd.s32 $0x40, s16;
	s17 =	sadd.s32 $0x60, s16  }
0xb: {  	s16 =	simm.s32 $0x0;
	_ =	strace $0x80000047;
	s6 =	sor.u32 s3, s5  }
0xc: {  	s9 =	sshll.u32 s7, $0xA;
	s7 =	sshll.u32 s7, $0xB;
	[dreg:$0x7] =	wrdreg s26  }
0xd: {  	s3 =	ssub.s32 $0x2, s3;
	[dreg:$0x8] =	wrdreg s28;
	s8 =	sshll.u32 s6, $0x7  }
0xe: {  	s5 =	sshll.u32 s6, $0xB;
	s24 =	sshrl.u32 s3, $0x1;
	s8 =	sand.u32 $0x380, s8  }
0xf: {  	s10 =	sadd.s32 s5, s0;
	s3 =	ssub.s32 s3, s24;
	s24 =	simm.s32 $0x400  }
0x10: {  	s23 =	sor.u32 s9, s8;
	s7 =	sor.u32 s7, s8;
	s25 =	sadd.s32 $0xC00, s10  }
0x11: {  	s8 =	sadd.s32 $0x400, s1;
	s9 =	sadd.s32 $0x800, s1;
	s10 =	sadd.s32 $0xC00, s1  }
0x12: {  	s30 =	smax.u32 s3, $0x1;
	s3 =	simm.s32 $0x4;
	[dreg:$0x5] =	wrdreg s25  }
0x13: {  	s5 =	sshrl.u32 s23, $0x3;
	s7 =	sshrl.u32 s7, $0x3;
	[dreg:$0xb] =	wrdreg s30  }
0x14: {  	s15 =	sadd.s32 s5, s0;
	s5 =	sshll.u32 s6, $0x8;
	s6 =	sshll.u32 s6, $0x5  }
0x15: {  	v0 =	vlaneseq.u32;
	s23 =	simm.s32 $0x4300;
	s25 =	simm.s32 $0xC300;
	s2 =	sadd.s32 s2, s6  }
0x16: {  	v1 =	vimm.f32 $0.0e+00;
	v4 =	vimm.s32 $0x80;
	vm2 =	vcmask $0x300;
	s0 =	sadd.s32 s7, s0;
	s29 =	sadd.s32 $0x11000, s15;
	[dreg:$0x6] =	wrdreg s2  }
0x17: {  	vm0 =	vmmov $0xffff;
	vm1 =	vmmov $0x3;
	v3 =	vshrl.u32 v0, $0x1;
	s7 =	simm.s32 $0x9;
	s0 =	sadd.s32 $0x10C00, s0;
	[dreg:$0x9] =	wrdreg s29  }
0x18: {  	v2 =	vand.u32 $0x1, v0;
	v4 =	vsel vm2, $0x0, v4;
	v3 =	vmul.u32 $0x8, v3;
	[dreg:$0xa] =	wrdreg s0;
	s0 =	simm.s32 $0x8300;
	s2 =	simm.s32 $0x100  }
.LBB2_1:
0x19: {  	[dreg:$0xc] =	wrdreg s16  }
0x1a: {  	s6 =	rddreg [dreg:$0x5]  }
0x1b: {  	[tilespmem:s4], [sflag:$0x9] =	stream.linear.gather [hbm4b:s6+s4], $0x4000, $0x38;
	[tilespmem:$0x14300] =	vst v63  }
0x1c: {  	_ =	swait.ge [sflag:s7], $0x4000  }
0x1d: {  	[sflag:s7] =	ssyncset.done $0x0  }
0x1e: {  	s30 =	rddreg [dreg:$0x6];
	[sflag:s7] =	ssyncadd.s32 $0xFFFFC000  }
0x1f: {  	[tilespmem:s22], [sflag:$0x9] =	stream.linear.gather [hbm4b:s30+s4], $0x100, $0x38;
	[tilespmem:$0x14300] =	vst v63  }
0x20: {  	_ =	swait.ge [sflag:s7], $0x100  }
0x21: {  	[sflag:s7] =	ssyncset.done $0x0  }
0x22: {  	[sflag:s7] =	ssyncadd.s32 $0xFFFFFF00  }
0x23: {  	v5 =	vld.msk [tilespmem:$0x0], $0x3;
	_ =	sdelay $0x4  }
0x24: {  	v6 =	vshll.u32 v5, $0x6  }
0x25: {  	v5 =	vand.u32 $0x7, v5;
	v6 =	vand.u32 $0xFFFFFE00, v6  }
0x26: {  	v5 =	vor.u32 v5, v6  }
0x27: {  	v5 =	vperm.xlane v5, v2;
	_ =	sdelay $0x1  }
0x28: {  	v5 =	vadd.s32 v3, v5;
	_ =	sdelay $0x3  }
0x29: {  	[tilespmem:$0x4100] =	vst v1  }
0x2a: {  	[tilespmem:s23], [sflag:$0x1] =	stream.indirect_vreg.gather [hbm4b:s1+s4], $0x80, v5, vm0, $0xb8;
	[tilespmem:$0x14300] =	vst v63  }
0x2b: {  	s7 =	simm.s32 $0x4B00  }
0x2c: {  	[tilespmem:s7], [sflag:$0x1] =	stream.indirect_vreg.gather [hbm4b:s8+s4], $0x80, v5, vm0, $0xb8;
	[tilespmem:$0x14300] =	vst v63  }
0x2d: {  	s15 =	simm.s32 $0x5300  }
0x2e: {  	[tilespmem:s15], [sflag:$0x1] =	stream.indirect_vreg.gather [hbm4b:s9+s4], $0x80, v5, vm0, $0xb8;
	[tilespmem:$0x14300] =	vst v63  }
0x2f: {  	s16 =	simm.s32 $0x5B00  }
0x30: {  	[tilespmem:s16], [sflag:$0x1] =	stream.indirect_vreg.gather [hbm4b:s10+s4], $0x80, v5, vm0, $0xb8;
	[tilespmem:$0x14300] =	vst v63  }
0x31: {  	s26 =	simm.s32 $0x6300  }
0x32: {  	[tilespmem:s26], [sflag:$0x1] =	stream.indirect_vreg.gather [hbm4b:s11+s4], $0x80, v5, vm0, $0xb8;
	[tilespmem:$0x14300] =	vst v63  }
0x33: {  	s28 =	simm.s32 $0x6B00  }
0x34: {  	[tilespmem:s28], [sflag:$0x1] =	stream.indirect_vreg.gather [hbm4b:s12+s4], $0x80, v5, vm0, $0xb8;
	[tilespmem:$0x14300] =	vst v63  }
0x35: {  	s29 =	simm.s32 $0x7300  }
0x36: {  	[tilespmem:s29], [sflag:$0x1] =	stream.indirect_vreg.gather [hbm4b:s13+s4], $0x80, v5, vm0, $0xb8;
	[tilespmem:$0x14300] =	vst v63  }
0x37: {  	s30 =	simm.s32 $0x7B00  }
0x38: {  	[tilespmem:s30], [sflag:$0x1] =	stream.indirect_vreg.gather [hbm4b:s14+s4], $0x80, v5, vm0, $0xb8;
	[tilespmem:$0x14300] =	vst v63  }
0x39: {  	v5 =	vld.msk [tilespmem:$0x80], $0x3;
	_ =	sdelay $0x4  }
0x3a: {  	v6 =	vshll.u32 v5, $0x6  }
0x3b: {  	v5 =	vand.u32 $0x7, v5;
	v6 =	vand.u32 $0xFFFFFE00, v6  }
0x3c: {  	v5 =	vor.u32 v5, v6  }
0x3d: {  	v5 =	vperm.xlane v5, v2;
	_ =	sdelay $0x1  }
0x3e: {  	v5 =	vadd.s32 v3, v5;
	_ =	sdelay $0x4  }
0x3f: {  	[tilespmem:s0], [sflag:$0x2] =	stream.indirect_vreg.gather [hbm4b:s1+s4], $0x80, v5, vm0, $0xb8;
	[tilespmem:$0x14300] =	vst v63  }
0x40: {  	s7 =	simm.s32 $0x8B00  }
0x41: {  	[tilespmem:s7], [sflag:$0x2] =	stream.indirect_vreg.gather [hbm4b:s8+s4], $0x80, v5, vm0, $0xb8;
	[tilespmem:$0x14300] =	vst v63  }
0x42: {  	s15 =	simm.s32 $0x9300  }
0x43: {  	[tilespmem:s15], [sflag:$0x2] =	stream.indirect_vreg.gather [hbm4b:s9+s4], $0x80, v5, vm0, $0xb8;
	[tilespmem:$0x14300] =	vst v63  }
0x44: {  	s16 =	simm.s32 $0x9B00  }
0x45: {  	[tilespmem:s16], [sflag:$0x2] =	stream.indirect_vreg.gather [hbm4b:s10+s4], $0x80, v5, vm0, $0xb8;
	[tilespmem:$0x14300] =	vst v63  }
0x46: {  	s26 =	simm.s32 $0xA300  }
0x47: {  	[tilespmem:s26], [sflag:$0x2] =	stream.indirect_vreg.gather [hbm4b:s11+s4], $0x80, v5, vm0, $0xb8;
	[tilespmem:$0x14300] =	vst v63  }
0x48: {  	s28 =	simm.s32 $0xAB00  }
0x49: {  	[tilespmem:s28], [sflag:$0x2] =	stream.indirect_vreg.gather [hbm4b:s12+s4], $0x80, v5, vm0, $0xb8;
	[tilespmem:$0x14300] =	vst v63  }
0x4a: {  	s29 =	simm.s32 $0xB300  }
0x4b: {  	[tilespmem:s29], [sflag:$0x2] =	stream.indirect_vreg.gather [hbm4b:s13+s4], $0x80, v5, vm0, $0xb8;
	[tilespmem:$0x14300] =	vst v63  }
0x4c: {  	s30 =	simm.s32 $0xBB00;
	s26 =	simm.s32 $0x0  }
0x4d: {  	[tilespmem:s30], [sflag:$0x2] =	stream.indirect_vreg.gather [hbm4b:s14+s4], $0x80, v5, vm0, $0xb8;
	[tilespmem:$0x14300] =	vst v63  }
.LBB2_2:
0x4e: {  	_ =	swait.ge [sflag:s31], $0x4000  }
0x4f: {  	s30 =	sshll.u32 s26, $0x3;
	[sflag:s31] =	ssyncset.done $0x0  }
0x50: {  	s6 =	sadd.s32 s5, s30;
	[sflag:s31] =	ssyncadd.s32 $0xFFFFC000  }
0x51: {  	s28 =	sshll.u32 s6, $0xA;
	s7 =	rddreg [dreg:$0x3]  }
0x52: {  	p0 =	seq.s32 s26, $0x0;
	s6 =	sadd.s32 s7, s28  }
0x53: {  	[hbm4b:s6+s2] =	stream.strided.scatter [tilespmem:s23], [sflag:$0x5], $0x4000, s24, s2, $0x38;
	[tilespmem:$0x14300] =	vst v63  }
0x54: {  	s7 =	simm.s32 @!p0 $0x7;
	s6 =	sshll.u32 s26, $0x2  }
0x55: {  	s29 =	sor.u32 $0x2, s6;
	_ =	swait.ge @!p0 [sflag:s7], $0x4000  }
0x56: {  	[sflag:s7] =	ssyncset.done @!p0 $0x0;
	s15 =	sshll.u32 s29, $0x7  }
0x57: {  	[sflag:s7] =	ssyncadd.s32 @!p0 $0xFFFFC000;
	s15 =	sand.u32 $0x3FFFFF80, s15  }
0x58: {  	v5 =	vld.msk [tilespmem:s15+$0x0], $0x3;
	_ =	sdelay $0x4  }
0x59: {  	v6 =	vshll.u32 v5, $0x6  }
0x5a: {  	v5 =	vand.u32 $0x7, v5;
	v6 =	vand.u32 $0xFFFFFE00, v6  }
0x5b: {  	v5 =	vor.u32 v5, v6  }
0x5c: {  	v5 =	vperm.xlane v5, v2;
	_ =	sdelay $0x1  }
0x5d: {  	v5 =	vadd.s32 v3, v5;
	_ =	sdelay $0x4  }
0x5e: {  	[tilespmem:s25], [sflag:$0x3] =	stream.indirect_vreg.gather [hbm4b:s1+s4], $0x80, v5, vm0, $0xb8;
	[tilespmem:$0x14300] =	vst v63  }
0x5f: {  	s16 =	simm.s32 $0xCB00  }
0x60: {  	[tilespmem:s16], [sflag:$0x3] =	stream.indirect_vreg.gather [hbm4b:s8+s4], $0x80, v5, vm0, $0xb8;
	[tilespmem:$0x14300] =	vst v63  }
0x61: {  	s15 =	simm.s32 $0xD300  }
0x62: {  	[tilespmem:s15], [sflag:$0x3] =	stream.indirect_vreg.gather [hbm4b:s9+s4], $0x80, v5, vm0, $0xb8;
	[tilespmem:$0x14300] =	vst v63  }
0x63: {  	s16 =	simm.s32 $0xDB00  }
0x64: {  	[tilespmem:s16], [sflag:$0x3] =	stream.indirect_vreg.gather [hbm4b:s10+s4], $0x80, v5, vm0, $0xb8;
	[tilespmem:$0x14300] =	vst v63  }
0x65: {  	s15 =	simm.s32 $0xE300  }
0x66: {  	[tilespmem:s15], [sflag:$0x3] =	stream.indirect_vreg.gather [hbm4b:s11+s4], $0x80, v5, vm0, $0xb8;
	[tilespmem:$0x14300] =	vst v63  }
0x67: {  	s7 =	sor.u32 $0x1, s30;
	v6 =	vadd.s32 s30, v0;
	s16 =	simm.s32 $0xEB00  }
0x68: {  	v6 =	vmin.u32 v6, s7;
	[tilespmem:s16], [sflag:$0x3] =	stream.indirect_vreg.gather [hbm4b:s12+s4], $0x80, v5, vm0, $0xb8;
	[tilespmem:$0x14300] =	vst v63  }
0x69: {  	s16 =	simm.s32 $0xF300  }
0x6a: {  	[tilespmem:s16], [sflag:$0x3] =	stream.indirect_vreg.gather [hbm4b:s13+s4], $0x80, v5, vm0, $0xb8;
	[tilespmem:$0x14300] =	vst v63  }
0x6b: {  	s16 =	simm.s32 $0xFB00  }
0x6c: {  	[tilespmem:s16], [sflag:$0x3] =	stream.indirect_vreg.gather [hbm4b:s14+s4], $0x80, v5, vm0, $0xb8;
	[tilespmem:$0x14300] =	vst v63  }
0x6d: {  	v5 =	vld.idx.msk [tilespmem:v6+s22+$0x0], $0xffff;
	_ =	sdelay $0x4  }
0x6e: {  	v6 =	vshll.u32 v5, $0x1  }
0x6f: {  	v5 =	vand.u32 $0x7F, v5;
	v6 =	vand.u32 $0xFFFFFF00, v6  }
0x70: {  	v5 =	vor.u32 v6, v5  }
0x71: {  	v5 =	vor.u32 v4, v5;
	_ =	sdelay $0x4  }
0x72: {  	v5 =	vld.idx.msk [tilespmem:v5+s23+$0x0], $0xffff;
	_ =	sdelay $0x4  }
0x73: {  	v5 =	vnsel vm1, $0x0, v5  }
0x74: {  	s16 =	simm.s32 $0x4340;
	[tilespmem:s19+$0x0] =	vst.add.f32.msk $0xffff, v5  }
0x75: {  	v5 =	vld [tilespmem:s16+$0xFFFFFFC0];
	_ =	sdelay $0x1  }
0x76: {  	v6 =	vld [tilespmem:s16+$0xFFFFFFD0];
	_ =	sdelay $0x1  }
0x77: {  	v7 =	vld [tilespmem:s16+$0xFFFFFFE0]  }
0x78: {  	v5 =	vmul.f32 $1.442695020e+00, v5  }
0x79: {  	v8 =	vld [tilespmem:s16+$0xFFFFFFF0]  }
0x7a: {  	v6 =	vmul.f32 $1.442695020e+00, v6;
	(erf) = vpow2.f32 v5  }
0x7b: {  	v9 =	vld [tilespmem:s16+$0x0]  }
0x7c: {  	v5 =	vmul.f32 $1.442695020e+00, v7;
	(erf) = vpow2.f32 v6  }
0x7d: {  	v10 =	vld [tilespmem:s16+$0x10]  }
0x7e: {  	v6 =	vmul.f32 $1.442695020e+00, v8;
	(erf) = vpow2.f32 v5  }
0x7f: {  	v5 =	vld [tilespmem:s16+$0x20]  }
0x80: {  	v9 =	vmul.f32 $1.442695020e+00, v9;
	(erf) = vpow2.f32 v6  }
0x81: {  	v6 =	vld [tilespmem:s16+$0x30]  }
0x82: {  	s15 =	simm.s32 $0x0;
	v7 =	vmul.f32 $1.442695020e+00, v10;
	v8 =	vimm.f32 $0.0e+00;
	s16 =	simm.s32 $0x4440;
	(erf) = vpow2.f32 v9  }
.LBB2_3:
0x83: {  	v9 =	vld [tilespmem:s16+$0xFFFFFFC0];
	s15 =	sadd.s32 $0x8, s15;
	v10 =	vpop (erf)  }
0x84: {  	p1 =	slt.u32 s15, $0x1F8;
	v8 =	vadd.f32 v10, v8;
	v5 =	vmul.f32 $1.442695020e+00, v5;
	(erf) = vpow2.f32 v7  }
0x85: {  	v7 =	vld [tilespmem:s16+$0xFFFFFFD0];
	v10 =	vpop (erf)  }
0x86: {  	v8 =	vadd.f32 v10, v8;
	v6 =	vmul.f32 $1.442695020e+00, v6;
	(erf) = vpow2.f32 v5  }
0x87: {  	v5 =	vld [tilespmem:s16+$0xFFFFFFE0];
	v10 =	vpop (erf)  }
0x88: {  	v9 =	vmul.f32 $1.442695020e+00, v9;
	v8 =	vadd.f32 v10, v8;
	(erf) = vpow2.f32 v6  }
0x89: {  	v6 =	vld [tilespmem:s16+$0xFFFFFFF0];
	v10 =	vpop (erf)  }
0x8a: {  	v7 =	vmul.f32 $1.442695020e+00, v7;
	(erf) = vpow2.f32 v9;
	v8 =	vadd.f32 v10, v8  }
0x8b: {  	v9 =	vld [tilespmem:s16+$0x0];
	v10 =	vpop (erf)  }
0x8c: {  	v5 =	vmul.f32 $1.442695020e+00, v5;
	(erf) = vpow2.f32 v7;
	v7 =	vadd.f32 v10, v8  }
0x8d: {  	v8 =	vld [tilespmem:s16+$0x10];
	v10 =	vpop (erf)  }
.Ltmp0:
0x8e: {  	v6 =	vmul.f32 $1.442695020e+00, v6;
	(erf) = vpow2.f32 v5;
	v7 =	vadd.f32 v10, v7;
	(pc) =	sbr.rel @p1 .LBB2_3-.Ltmp0, $4  }
0x8f: {  	v5 =	vld [tilespmem:s16+$0x20];
	v10 =	vpop (erf)  }
0x90: {  	v9 =	vmul.f32 $1.442695020e+00, v9;
	(erf) = vpow2.f32 v6;
	v10 =	vadd.f32 v10, v7  }
0x91: {  	v6 =	vld [tilespmem:s16+$0x30];
	v11 =	vpop (erf)  }
0x92: {  	s16 =	sadd.s32 $0x100, s16;
	v7 =	vmul.f32 $1.442695020e+00, v8;
	(erf) = vpow2.f32 v9;
	v8 =	vadd.f32 v11, v10  }
0x93: {  	_ = 	snop  }
0x94: {  	v9 =	vpop (erf);
	v5 =	vmul.f32 $1.442695020e+00, v5  }
0x95: {  	v8 =	vadd.f32 v9, v8;
	(erf) = vpow2.f32 v7  }
0x96: {  	v7 =	vpop (erf);
	v6 =	vmul.f32 $1.442695020e+00, v6  }
0x97: {  	v7 =	vadd.f32 v7, v8;
	(erf) = vpow2.f32 v5  }
0x98: {  	v5 =	vpop (erf)  }
0x99: {  	(erf) = vpow2.f32 v6;
	v5 =	vadd.f32 v5, v7  }
0x9a: {  	v6 =	vpop (erf)  }
0x9b: {  	v5 =	vadd.f32 v6, v5  }
0x9c: {  	v6 =	vpop (erf)  }
0x9d: {  	v5 =	vadd.f32 v6, v5  }
0x9e: {  	v6 =	vpop (erf)  }
0x9f: {  	v5 =	vadd.f32 v6, v5  }
0xa0: {  	v6 =	vpop (erf)  }
0xa1: {  	v5 =	vadd.f32 v6, v5  }
0xa2: {  	v6 =	vpop (erf)  }
0xa3: {  	v5 =	vadd.f32 v6, v5;
	_ =	sdelay $0x1  }
0xa4: {  	(xrf2) =	vadd.scan.msk.f32 $0xffff, v5;
	_ =	sdelay $0x7  }
0xa5: {  	v5 =	vld [tilespmem:$0x4180];
	_ =	sdelay $0x1  }
0xa6: {  	s15 =	sand.u32 $0x8, s30;
	v6, _, _ =	vpop (xrf2)  }
0xa7: {  	v7 =	vmov s15;
	v6 =	vbroadcast v6, $0xF  }
0xa8: {  	vm2 =	veq.s32 v7, v0  }
0xa9: {  	v5 =	vsel vm2, v6, v5  }
0xaa: {  	s16 =	simm.s32 $0x43F0;
	[tilespmem:$0x4180] =	vst v5  }
0xab: {  	v6 =	vld [tilespmem:s16+$0xFFFFFF90];
	_ =	sdelay $0x1  }
0xac: {  	v7 =	vld [tilespmem:s16+$0xFFFFFFA0];
	_ =	sdelay $0x1  }
0xad: {  	v8 =	vld [tilespmem:s16+$0xFFFFFFB0]  }
0xae: {  	v6 =	vmul.f32 $1.442695020e+00, v6  }
0xaf: {  	v9 =	vld [tilespmem:s16+$0xFFFFFFC0]  }
0xb0: {  	v7 =	vmul.f32 $1.442695020e+00, v7;
	(erf) = vpow2.f32 v6  }
0xb1: {  	v10 =	vld [tilespmem:s16+$0xFFFFFFD0]  }
0xb2: {  	v6 =	vmul.f32 $1.442695020e+00, v8;
	(erf) = vpow2.f32 v7  }
0xb3: {  	v11 =	vld [tilespmem:s16+$0xFFFFFFE0]  }
0xb4: {  	v7 =	vmul.f32 $1.442695020e+00, v9;
	(erf) = vpow2.f32 v6  }
0xb5: {  	v6 =	vld [tilespmem:s16+$0xFFFFFFF0]  }
0xb6: {  	v10 =	vmul.f32 $1.442695020e+00, v10;
	(erf) = vpow2.f32 v7  }
0xb7: {  	v7 =	vld [tilespmem:s16+$0x0]  }
0xb8: {  	s15 =	simm.s32 $0x0;
	v8 =	vmul.f32 $1.442695020e+00, v11;
	v9 =	vimm.f32 $0.0e+00;
	s16 =	simm.s32 $0x44F0;
	(erf) = vpow2.f32 v10  }
.LBB2_5:
0xb9: {  	v10 =	vld [tilespmem:s16+$0xFFFFFF90];
	s15 =	sadd.s32 $0x8, s15;
	v11 =	vpop (erf)  }
0xba: {  	p1 =	slt.u32 s15, $0x1F8;
	v9 =	vadd.f32 v11, v9;
	v6 =	vmul.f32 $1.442695020e+00, v6;
	(erf) = vpow2.f32 v8  }
0xbb: {  	v8 =	vld [tilespmem:s16+$0xFFFFFFA0];
	v11 =	vpop (erf)  }
0xbc: {  	v9 =	vadd.f32 v11, v9;
	v7 =	vmul.f32 $1.442695020e+00, v7;
	(erf) = vpow2.f32 v6  }
0xbd: {  	v6 =	vld [tilespmem:s16+$0xFFFFFFB0];
	v11 =	vpop (erf)  }
0xbe: {  	v10 =	vmul.f32 $1.442695020e+00, v10;
	v9 =	vadd.f32 v11, v9;
	(erf) = vpow2.f32 v7  }
0xbf: {  	v7 =	vld [tilespmem:s16+$0xFFFFFFC0];
	v11 =	vpop (erf)  }
0xc0: {  	v8 =	vmul.f32 $1.442695020e+00, v8;
	(erf) = vpow2.f32 v10;
	v9 =	vadd.f32 v11, v9  }
0xc1: {  	v10 =	vld [tilespmem:s16+$0xFFFFFFD0];
	v11 =	vpop (erf)  }
0xc2: {  	v6 =	vmul.f32 $1.442695020e+00, v6;
	(erf) = vpow2.f32 v8;
	v8 =	vadd.f32 v11, v9  }
0xc3: {  	v9 =	vld [tilespmem:s16+$0xFFFFFFE0];
	v11 =	vpop (erf)  }
.Ltmp1:
0xc4: {  	v7 =	vmul.f32 $1.442695020e+00, v7;
	(erf) = vpow2.f32 v6;
	v8 =	vadd.f32 v11, v8;
	(pc) =	sbr.rel @p1 .LBB2_5-.Ltmp1, $4  }
0xc5: {  	v6 =	vld [tilespmem:s16+$0xFFFFFFF0];
	v11 =	vpop (erf)  }
0xc6: {  	v10 =	vmul.f32 $1.442695020e+00, v10;
	(erf) = vpow2.f32 v7;
	v11 =	vadd.f32 v11, v8  }
0xc7: {  	v7 =	vld [tilespmem:s16+$0x0];
	v12 =	vpop (erf)  }
0xc8: {  	s16 =	sadd.s32 $0x100, s16;
	v8 =	vmul.f32 $1.442695020e+00, v9;
	(erf) = vpow2.f32 v10;
	v9 =	vadd.f32 v12, v11  }
0xc9: {  	_ = 	snop  }
0xca: {  	v10 =	vpop (erf);
	v6 =	vmul.f32 $1.442695020e+00, v6  }
0xcb: {  	v9 =	vadd.f32 v10, v9;
	(erf) = vpow2.f32 v8  }
0xcc: {  	v8 =	vpop (erf);
	v7 =	vmul.f32 $1.442695020e+00, v7  }
0xcd: {  	v8 =	vadd.f32 v8, v9;
	(erf) = vpow2.f32 v6  }
0xce: {  	v6 =	vpop (erf)  }
0xcf: {  	(erf) = vpow2.f32 v7;
	v6 =	vadd.f32 v6, v8  }
0xd0: {  	v7 =	vpop (erf)  }
0xd1: {  	v6 =	vadd.f32 v7, v6  }
0xd2: {  	v7 =	vpop (erf)  }
0xd3: {  	v6 =	vadd.f32 v7, v6  }
0xd4: {  	v7 =	vpop (erf)  }
0xd5: {  	v6 =	vadd.f32 v7, v6  }
0xd6: {  	v7 =	vpop (erf)  }
0xd7: {  	v6 =	vadd.f32 v7, v6  }
0xd8: {  	v7 =	vpop (erf)  }
0xd9: {  	v6 =	vadd.f32 v7, v6;
	_ =	sdelay $0x1  }
0xda: {  	(xrf2) =	vadd.scan.msk.f32 $0xffff, v6;
	_ =	sdelay $0x9  }
0xdb: {  	s7 =	sand.u32 $0x9, s7;
	v6, _, _ =	vpop (xrf2)  }
0xdc: {  	v7 =	vmov s7;
	v6 =	vbroadcast v6, $0xF  }
0xdd: {  	vm2 =	veq.s32 v7, v0  }
0xde: {  	v5 =	vsel vm2, v6, v5  }
0xdf: {  	[tilespmem:$0x4180] =	vst v5  }
0xe0: {  	_ =	swait.ge [sflag:s20], $0x4000  }
0xe1: {  	[sflag:s20] =	ssyncset.done $0x0;
	s16 =	rddreg [dreg:$0x7]  }
0xe2: {  	[sflag:s20] =	ssyncadd.s32 $0xFFFFC000;
	s7 =	sadd.s32 s28, s16  }
0xe3: {  	[hbm4b:s7+s2] =	stream.strided.scatter [tilespmem:s0], [sflag:$0x6], $0x4000, s24, s2, $0x38;
	[tilespmem:$0x14300] =	vst v63  }
0xe4: {  	s7 =	simm.s32 @!p0 $0x8  }
0xe5: {  	s28 =	sor.u32 $0x3, s6;
	_ =	swait.ge @!p0 [sflag:s7], $0x4000  }
0xe6: {  	s6 =	sshll.u32 s28, $0x7;
	[sflag:s7] =	ssyncset.done @!p0 $0x0  }
0xe7: {  	s6 =	sand.u32 $0x3FFFFF80, s6;
	[sflag:s7] =	ssyncadd.s32 @!p0 $0xFFFFC000  }
0xe8: {  	v5 =	vld.msk [tilespmem:s6+$0x0], $0x3;
	_ =	sdelay $0x4  }
0xe9: {  	v6 =	vshll.u32 v5, $0x6  }
0xea: {  	v5 =	vand.u32 $0x7, v5;
	v6 =	vand.u32 $0xFFFFFE00, v6  }
0xeb: {  	v5 =	vor.u32 v5, v6  }
0xec: {  	v5 =	vperm.xlane v5, v2;
	_ =	sdelay $0x1  }
0xed: {  	v5 =	vadd.s32 v3, v5;
	_ =	sdelay $0x4  }
0xee: {  	[tilespmem:s21], [sflag:$0x4] =	stream.indirect_vreg.gather [hbm4b:s1+s4], $0x80, v5, vm0, $0xb8;
	[tilespmem:$0x14300] =	vst v63  }
0xef: {  	s15 =	simm.s32 $0x10B00  }
0xf0: {  	[tilespmem:s15], [sflag:$0x4] =	stream.indirect_vreg.gather [hbm4b:s8+s4], $0x80, v5, vm0, $0xb8;
	[tilespmem:$0x14300] =	vst v63  }
0xf1: {  	s16 =	simm.s32 $0x11300  }
0xf2: {  	[tilespmem:s16], [sflag:$0x4] =	stream.indirect_vreg.gather [hbm4b:s9+s4], $0x80, v5, vm0, $0xb8;
	[tilespmem:$0x14300] =	vst v63  }
0xf3: {  	s7 =	simm.s32 $0x11B00  }
0xf4: {  	[tilespmem:s7], [sflag:$0x4] =	stream.indirect_vreg.gather [hbm4b:s10+s4], $0x80, v5, vm0, $0xb8;
	[tilespmem:$0x14300] =	vst v63  }
0xf5: {  	s15 =	simm.s32 $0x12300;
	s7 =	sor.u32 $0x2, s30  }
0xf6: {  	[tilespmem:s15], [sflag:$0x4] =	stream.indirect_vreg.gather [hbm4b:s11+s4], $0x80, v5, vm0, $0xb8;
	[tilespmem:$0x14300] =	vst v63  }
0xf7: {  	s6 =	sor.u32 $0x3, s30;
	v6 =	vadd.s32 s7, v0;
	s15 =	simm.s32 $0x12B00  }
0xf8: {  	v6 =	vmin.u32 v6, s6;
	[tilespmem:s15], [sflag:$0x4] =	stream.indirect_vreg.gather [hbm4b:s12+s4], $0x80, v5, vm0, $0xb8;
	[tilespmem:$0x14300] =	vst v63  }
0xf9: {  	s16 =	simm.s32 $0x13300  }
0xfa: {  	[tilespmem:s16], [sflag:$0x4] =	stream.indirect_vreg.gather [hbm4b:s13+s4], $0x80, v5, vm0, $0xb8;
	[tilespmem:$0x14300] =	vst v63  }
0xfb: {  	s30 =	simm.s32 $0x13B00  }
0xfc: {  	[tilespmem:s30], [sflag:$0x4] =	stream.indirect_vreg.gather [hbm4b:s14+s4], $0x80, v5, vm0, $0xb8;
	[tilespmem:$0x14300] =	vst v63  }
0xfd: {  	v5 =	vld.idx.msk [tilespmem:v6+s22+$0x0], $0xffff;
	_ =	sdelay $0x4  }
0xfe: {  	v6 =	vshll.u32 v5, $0x1  }
0xff: {  	v5 =	vand.u32 $0x7F, v5;
	v6 =	vand.u32 $0xFFFFFF00, v6  }
0x100: {  	v5 =	vor.u32 v6, v5  }
0x101: {  	v5 =	vor.u32 v4, v5;
	_ =	sdelay $0x4  }
0x102: {  	v5 =	vld.idx.msk [tilespmem:v5+s0+$0x0], $0xffff;
	_ =	sdelay $0x4  }
0x103: {  	v5 =	vnsel vm1, $0x0, v5  }
0x104: {  	s16 =	simm.s32 $0x8340;
	[tilespmem:s19+$0x0] =	vst.add.f32.msk $0xffff, v5  }
0x105: {  	v5 =	vld [tilespmem:s16+$0xFFFFFFC0];
	_ =	sdelay $0x1  }
0x106: {  	v6 =	vld [tilespmem:s16+$0xFFFFFFD0];
	_ =	sdelay $0x1  }
0x107: {  	v7 =	vld [tilespmem:s16+$0xFFFFFFE0]  }
0x108: {  	v5 =	vmul.f32 $1.442695020e+00, v5  }
0x109: {  	v8 =	vld [tilespmem:s16+$0xFFFFFFF0]  }
0x10a: {  	v6 =	vmul.f32 $1.442695020e+00, v6;
	(erf) = vpow2.f32 v5  }
0x10b: {  	v9 =	vld [tilespmem:s16+$0x0]  }
0x10c: {  	v5 =	vmul.f32 $1.442695020e+00, v7;
	(erf) = vpow2.f32 v6  }
0x10d: {  	v10 =	vld [tilespmem:s16+$0x10]  }
0x10e: {  	v6 =	vmul.f32 $1.442695020e+00, v8;
	(erf) = vpow2.f32 v5  }
0x10f: {  	v5 =	vld [tilespmem:s16+$0x20]  }
0x110: {  	v9 =	vmul.f32 $1.442695020e+00, v9;
	(erf) = vpow2.f32 v6  }
0x111: {  	v6 =	vld [tilespmem:s16+$0x30]  }
0x112: {  	s15 =	simm.s32 $0x0;
	v7 =	vmul.f32 $1.442695020e+00, v10;
	v8 =	vimm.f32 $0.0e+00;
	s16 =	simm.s32 $0x8440;
	(erf) = vpow2.f32 v9  }
.LBB2_7:
0x113: {  	v9 =	vld [tilespmem:s16+$0xFFFFFFC0];
	s15 =	sadd.s32 $0x8, s15;
	v10 =	vpop (erf)  }
0x114: {  	p0 =	slt.u32 s15, $0x1F8;
	v8 =	vadd.f32 v10, v8;
	v5 =	vmul.f32 $1.442695020e+00, v5;
	(erf) = vpow2.f32 v7  }
0x115: {  	v7 =	vld [tilespmem:s16+$0xFFFFFFD0];
	v10 =	vpop (erf)  }
0x116: {  	v8 =	vadd.f32 v10, v8;
	v6 =	vmul.f32 $1.442695020e+00, v6;
	(erf) = vpow2.f32 v5  }
0x117: {  	v5 =	vld [tilespmem:s16+$0xFFFFFFE0];
	v10 =	vpop (erf)  }
0x118: {  	v9 =	vmul.f32 $1.442695020e+00, v9;
	v8 =	vadd.f32 v10, v8;
	(erf) = vpow2.f32 v6  }
0x119: {  	v6 =	vld [tilespmem:s16+$0xFFFFFFF0];
	v10 =	vpop (erf)  }
0x11a: {  	v7 =	vmul.f32 $1.442695020e+00, v7;
	(erf) = vpow2.f32 v9;
	v8 =	vadd.f32 v10, v8  }
0x11b: {  	v9 =	vld [tilespmem:s16+$0x0];
	v10 =	vpop (erf)  }
0x11c: {  	v5 =	vmul.f32 $1.442695020e+00, v5;
	(erf) = vpow2.f32 v7;
	v7 =	vadd.f32 v10, v8  }
0x11d: {  	v8 =	vld [tilespmem:s16+$0x10];
	v10 =	vpop (erf)  }
.Ltmp2:
0x11e: {  	v6 =	vmul.f32 $1.442695020e+00, v6;
	(erf) = vpow2.f32 v5;
	v7 =	vadd.f32 v10, v7;
	(pc) =	sbr.rel @p0 .LBB2_7-.Ltmp2, $4  }
0x11f: {  	v5 =	vld [tilespmem:s16+$0x20];
	v10 =	vpop (erf)  }
0x120: {  	v9 =	vmul.f32 $1.442695020e+00, v9;
	(erf) = vpow2.f32 v6;
	v10 =	vadd.f32 v10, v7  }
0x121: {  	v6 =	vld [tilespmem:s16+$0x30];
	v11 =	vpop (erf)  }
0x122: {  	s16 =	sadd.s32 $0x100, s16;
	v7 =	vmul.f32 $1.442695020e+00, v8;
	(erf) = vpow2.f32 v9;
	v8 =	vadd.f32 v11, v10  }
0x123: {  	_ = 	snop  }
0x124: {  	v9 =	vpop (erf);
	v5 =	vmul.f32 $1.442695020e+00, v5  }
0x125: {  	v8 =	vadd.f32 v9, v8;
	(erf) = vpow2.f32 v7  }
0x126: {  	v7 =	vpop (erf);
	v6 =	vmul.f32 $1.442695020e+00, v6  }
0x127: {  	v7 =	vadd.f32 v7, v8;
	(erf) = vpow2.f32 v5  }
0x128: {  	v5 =	vpop (erf)  }
0x129: {  	(erf) = vpow2.f32 v6;
	v5 =	vadd.f32 v5, v7  }
0x12a: {  	v6 =	vpop (erf)  }
0x12b: {  	v5 =	vadd.f32 v6, v5  }
0x12c: {  	v6 =	vpop (erf)  }
0x12d: {  	v5 =	vadd.f32 v6, v5  }
0x12e: {  	v6 =	vpop (erf)  }
0x12f: {  	v5 =	vadd.f32 v6, v5  }
0x130: {  	v6 =	vpop (erf)  }
0x131: {  	v5 =	vadd.f32 v6, v5  }
0x132: {  	v6 =	vpop (erf)  }
0x133: {  	v5 =	vadd.f32 v6, v5;
	_ =	sdelay $0x1  }
0x134: {  	(xrf2) =	vadd.scan.msk.f32 $0xffff, v5;
	_ =	sdelay $0x7  }
0x135: {  	v5 =	vld [tilespmem:$0x4180];
	_ =	sdelay $0x1  }
0x136: {  	s7 =	sand.u32 $0xA, s7;
	v6, _, _ =	vpop (xrf2)  }
0x137: {  	v7 =	vmov s7;
	v6 =	vbroadcast v6, $0xF  }
0x138: {  	vm2 =	veq.s32 v7, v0  }
0x139: {  	v5 =	vsel vm2, v6, v5  }
0x13a: {  	s15 =	simm.s32 $0x83F0;
	[tilespmem:$0x4180] =	vst v5  }
0x13b: {  	v6 =	vld [tilespmem:s15+$0xFFFFFF90];
	_ =	sdelay $0x1  }
0x13c: {  	v7 =	vld [tilespmem:s15+$0xFFFFFFA0];
	_ =	sdelay $0x1  }
0x13d: {  	v8 =	vld [tilespmem:s15+$0xFFFFFFB0]  }
0x13e: {  	v6 =	vmul.f32 $1.442695020e+00, v6  }
0x13f: {  	v9 =	vld [tilespmem:s15+$0xFFFFFFC0]  }
0x140: {  	v7 =	vmul.f32 $1.442695020e+00, v7;
	(erf) = vpow2.f32 v6  }
0x141: {  	v10 =	vld [tilespmem:s15+$0xFFFFFFD0]  }
0x142: {  	v6 =	vmul.f32 $1.442695020e+00, v8;
	(erf) = vpow2.f32 v7  }
0x143: {  	v11 =	vld [tilespmem:s15+$0xFFFFFFE0]  }
0x144: {  	v7 =	vmul.f32 $1.442695020e+00, v9;
	(erf) = vpow2.f32 v6  }
0x145: {  	v6 =	vld [tilespmem:s15+$0xFFFFFFF0]  }
0x146: {  	v10 =	vmul.f32 $1.442695020e+00, v10;
	(erf) = vpow2.f32 v7  }
0x147: {  	v7 =	vld [tilespmem:s15+$0x0]  }
0x148: {  	s7 =	simm.s32 $0x0;
	v8 =	vmul.f32 $1.442695020e+00, v11;
	v9 =	vimm.f32 $0.0e+00;
	s15 =	simm.s32 $0x84F0;
	(erf) = vpow2.f32 v10  }
.LBB2_9:
0x149: {  	v10 =	vld [tilespmem:s15+$0xFFFFFF90];
	s7 =	sadd.s32 $0x8, s7;
	v11 =	vpop (erf)  }
0x14a: {  	p0 =	slt.u32 s7, $0x1F8;
	v9 =	vadd.f32 v11, v9;
	v6 =	vmul.f32 $1.442695020e+00, v6;
	(erf) = vpow2.f32 v8  }
0x14b: {  	v8 =	vld [tilespmem:s15+$0xFFFFFFA0];
	v11 =	vpop (erf)  }
0x14c: {  	v9 =	vadd.f32 v11, v9;
	v7 =	vmul.f32 $1.442695020e+00, v7;
	(erf) = vpow2.f32 v6  }
0x14d: {  	v6 =	vld [tilespmem:s15+$0xFFFFFFB0];
	v11 =	vpop (erf)  }
0x14e: {  	v10 =	vmul.f32 $1.442695020e+00, v10;
	v9 =	vadd.f32 v11, v9;
	(erf) = vpow2.f32 v7  }
0x14f: {  	v7 =	vld [tilespmem:s15+$0xFFFFFFC0];
	v11 =	vpop (erf)  }
0x150: {  	v8 =	vmul.f32 $1.442695020e+00, v8;
	(erf) = vpow2.f32 v10;
	v9 =	vadd.f32 v11, v9  }
0x151: {  	v10 =	vld [tilespmem:s15+$0xFFFFFFD0];
	v11 =	vpop (erf)  }
0x152: {  	v6 =	vmul.f32 $1.442695020e+00, v6;
	(erf) = vpow2.f32 v8;
	v8 =	vadd.f32 v11, v9  }
0x153: {  	v9 =	vld [tilespmem:s15+$0xFFFFFFE0];
	v11 =	vpop (erf)  }
.Ltmp3:
0x154: {  	v7 =	vmul.f32 $1.442695020e+00, v7;
	(erf) = vpow2.f32 v6;
	v8 =	vadd.f32 v11, v8;
	(pc) =	sbr.rel @p0 .LBB2_9-.Ltmp3, $4  }
0x155: {  	v6 =	vld [tilespmem:s15+$0xFFFFFFF0];
	v11 =	vpop (erf)  }
0x156: {  	v10 =	vmul.f32 $1.442695020e+00, v10;
	(erf) = vpow2.f32 v7;
	v11 =	vadd.f32 v11, v8  }
0x157: {  	v7 =	vld [tilespmem:s15+$0x0];
	v12 =	vpop (erf)  }
0x158: {  	s15 =	sadd.s32 $0x100, s15;
	v8 =	vmul.f32 $1.442695020e+00, v9;
	(erf) = vpow2.f32 v10;
	v9 =	vadd.f32 v12, v11  }
0x159: {  	_ = 	snop  }
0x15a: {  	v10 =	vpop (erf);
	v6 =	vmul.f32 $1.442695020e+00, v6  }
0x15b: {  	v9 =	vadd.f32 v10, v9;
	(erf) = vpow2.f32 v8  }
0x15c: {  	v8 =	vpop (erf);
	v7 =	vmul.f32 $1.442695020e+00, v7  }
0x15d: {  	v8 =	vadd.f32 v8, v9;
	(erf) = vpow2.f32 v6  }
0x15e: {  	v6 =	vpop (erf)  }
0x15f: {  	(erf) = vpow2.f32 v7;
	v6 =	vadd.f32 v6, v8  }
0x160: {  	v7 =	vpop (erf)  }
0x161: {  	v6 =	vadd.f32 v7, v6  }
0x162: {  	v7 =	vpop (erf)  }
0x163: {  	v6 =	vadd.f32 v7, v6  }
0x164: {  	v7 =	vpop (erf)  }
0x165: {  	v6 =	vadd.f32 v7, v6  }
0x166: {  	v7 =	vpop (erf)  }
0x167: {  	v6 =	vadd.f32 v7, v6  }
0x168: {  	v7 =	vpop (erf)  }
0x169: {  	v6 =	vadd.f32 v7, v6;
	_ =	sdelay $0x1  }
0x16a: {  	(xrf2) =	vadd.scan.msk.f32 $0xffff, v6;
	_ =	sdelay $0x9  }
0x16b: {  	s6 =	sand.u32 $0xB, s6;
	v6, _, _ =	vpop (xrf2)  }
0x16c: {  	v7 =	vmov s6;
	v6 =	vbroadcast v6, $0xF  }
0x16d: {  	vm2 =	veq.s32 v7, v0  }
0x16e: {  	s7 =	sshll.u32 s29, $0x1;
	v5 =	vsel vm2, v6, v5  }
0x16f: {  	s16 =	sadd.s32 s5, s7;
	[tilespmem:$0x4180] =	vst v5  }
0x170: {  	s6 =	sshll.u32 s16, $0xA;
	_ =	swait.ge [sflag:s18], $0x4000  }
0x171: {  	s6 =	sand.u32 $0x1FFFE000, s6;
	[sflag:s18] =	ssyncset.done $0x0;
	s15 =	rddreg [dreg:$0x8]  }
0x172: {  	p0 =	seq.s32 s26, $0x1F;
	[sflag:s18] =	ssyncadd.s32 $0xFFFFC000;
	s6 =	sadd.s32 s6, s15  }
0x173: {  	[hbm4b:s6+s2] =	stream.strided.scatter [tilespmem:s25], [sflag:$0x7], $0x4000, s24, s2, $0x38;
	[tilespmem:$0x14300] =	vst v63  }
0x174: {  	s6 =	simm.s32 @!p0 $0x5  }
0x175: {  	_ =	swait.ge @!p0 [sflag:s6], $0x4000  }
0x176: {  	s15 =	sshll.u32 @!p0 s26, $0x9;
	[sflag:s6] =	ssyncset.done @!p0 $0x0  }
0x177: {  	s29 =	sand.u32 @!p0 $0x3FFFFE00, s15;
	[sflag:s6] =	ssyncadd.s32 @!p0 $0xFFFFC000  }
0x178: {  	v5 =	vld.msk @!p0 [tilespmem:s29+$0x200], $0x3;
	_ =	sdelay $0x4  }
0x179: {  	v6 =	vshll.u32 @!p0 v5, $0x6  }
0x17a: {  	v7 =	vlaneseq.u32 @!p0;
	v5 =	vand.u32 @!p0 $0x7, v5;
	v6 =	vand.u32 @!p0 $0xFFFFFE00, v6  }
0x17b: {  	v5 =	vor.u32 @!p0 v5, v6;
	v6 =	vand.u32 @!p0 $0x1, v7;
	v7 =	vshrl.u32 @!p0 v7, $0x1  }
0x17c: {  	v5 =	vperm.xlane @!p0 v5, v6;
	v6 =	vmul.u32 @!p0 $0x8, v7;
	_ =	sdelay $0x1  }
0x17d: {  	v5 =	vadd.s32 @!p0 v6, v5;
	_ =	sdelay $0x3  }
0x17e: {  	vm2 =	vmmov @!p0 $0xffff;
	s15 =	simm.s32 @!p0 $0x0;
	s6 =	simm.s32 @!p0 $0x4300  }
0x17f: {  	[tilespmem:s6], [sflag:$0x1] =	stream.indirect_vreg.gather @!p0 [hbm4b:s1+s15], $0x80, v5, vm2, $0xb8;
	[tilespmem:$0x14300] =	vst v63  }
0x180: {  	s6 =	simm.s32 @!p0 $0x4B00  }
0x181: {  	[tilespmem:s6], [sflag:$0x1] =	stream.indirect_vreg.gather @!p0 [hbm4b:s8+s15], $0x80, v5, vm2, $0xb8;
	[tilespmem:$0x14300] =	vst v63  }
0x182: {  	s6 =	simm.s32 @!p0 $0x5300  }
0x183: {  	[tilespmem:s6], [sflag:$0x1] =	stream.indirect_vreg.gather @!p0 [hbm4b:s9+s15], $0x80, v5, vm2, $0xb8;
	[tilespmem:$0x14300] =	vst v63  }
0x184: {  	s6 =	simm.s32 @!p0 $0x5B00  }
0x185: {  	[tilespmem:s6], [sflag:$0x1] =	stream.indirect_vreg.gather @!p0 [hbm4b:s10+s15], $0x80, v5, vm2, $0xb8;
	[tilespmem:$0x14300] =	vst v63  }
0x186: {  	s6 =	simm.s32 @!p0 $0x6300  }
0x187: {  	[tilespmem:s6], [sflag:$0x1] =	stream.indirect_vreg.gather @!p0 [hbm4b:s11+s15], $0x80, v5, vm2, $0xb8;
	[tilespmem:$0x14300] =	vst v63  }
0x188: {  	s16 =	simm.s32 @!p0 $0x6B00;
	v6 =	vadd.s32 s7, v0;
	s6 =	sor.u32 $0x1, s7  }
0x189: {  	v6 =	vmin.u32 v6, s6;
	[tilespmem:s16], [sflag:$0x1] =	stream.indirect_vreg.gather @!p0 [hbm4b:s12+s15], $0x80, v5, vm2, $0xb8;
	[tilespmem:$0x14300] =	vst v63  }
0x18a: {  	s16 =	simm.s32 @!p0 $0x7300  }
0x18b: {  	[tilespmem:s16], [sflag:$0x1] =	stream.indirect_vreg.gather @!p0 [hbm4b:s13+s15], $0x80, v5, vm2, $0xb8;
	[tilespmem:$0x14300] =	vst v63  }
0x18c: {  	s16 =	simm.s32 @!p0 $0x7B00  }
0x18d: {  	[tilespmem:s16], [sflag:$0x1] =	stream.indirect_vreg.gather @!p0 [hbm4b:s14+s15], $0x80, v5, vm2, $0xb8;
	[tilespmem:$0x14300] =	vst v63  }
0x18e: {  	v5 =	vld.idx.msk [tilespmem:v6+s22+$0x0], $0xffff;
	_ =	sdelay $0x4  }
0x18f: {  	v6 =	vshll.u32 v5, $0x1  }
0x190: {  	v5 =	vand.u32 $0x7F, v5;
	v6 =	vand.u32 $0xFFFFFF00, v6  }
0x191: {  	v5 =	vor.u32 v6, v5  }
0x192: {  	v5 =	vor.u32 v4, v5;
	_ =	sdelay $0x4  }
0x193: {  	v5 =	vld.idx.msk [tilespmem:v5+s25+$0x0], $0xffff;
	_ =	sdelay $0x4  }
0x194: {  	v5 =	vnsel vm1, $0x0, v5  }
0x195: {  	s30 =	simm.s32 $0xC340;
	[tilespmem:s19+$0x0] =	vst.add.f32.msk $0xffff, v5  }
0x196: {  	v5 =	vld [tilespmem:s30+$0xFFFFFFC0];
	_ =	sdelay $0x1  }
0x197: {  	v6 =	vld [tilespmem:s30+$0xFFFFFFD0];
	_ =	sdelay $0x1  }
0x198: {  	v7 =	vld [tilespmem:s30+$0xFFFFFFE0]  }
0x199: {  	v5 =	vmul.f32 $1.442695020e+00, v5  }
0x19a: {  	v8 =	vld [tilespmem:s30+$0xFFFFFFF0]  }
0x19b: {  	v6 =	vmul.f32 $1.442695020e+00, v6;
	(erf) = vpow2.f32 v5  }
0x19c: {  	v9 =	vld [tilespmem:s30+$0x0]  }
0x19d: {  	v5 =	vmul.f32 $1.442695020e+00, v7;
	(erf) = vpow2.f32 v6  }
0x19e: {  	v10 =	vld [tilespmem:s30+$0x10]  }
0x19f: {  	v6 =	vmul.f32 $1.442695020e+00, v8;
	(erf) = vpow2.f32 v5  }
0x1a0: {  	v5 =	vld [tilespmem:s30+$0x20]  }
0x1a1: {  	v9 =	vmul.f32 $1.442695020e+00, v9;
	(erf) = vpow2.f32 v6  }
0x1a2: {  	v6 =	vld [tilespmem:s30+$0x30]  }
0x1a3: {  	s15 =	simm.s32 $0x0;
	s16 =	simm.s32 $0xC440;
	v7 =	vmul.f32 $1.442695020e+00, v10;
	v8 =	vimm.f32 $0.0e+00;
	(erf) = vpow2.f32 v9  }
.LBB2_11:
0x1a4: {  	v9 =	vld [tilespmem:s16+$0xFFFFFFC0];
	s15 =	sadd.s32 $0x8, s15;
	v10 =	vpop (erf)  }
0x1a5: {  	p1 =	slt.u32 s15, $0x1F8;
	v8 =	vadd.f32 v10, v8;
	v5 =	vmul.f32 $1.442695020e+00, v5;
	(erf) = vpow2.f32 v7  }
0x1a6: {  	v7 =	vld [tilespmem:s16+$0xFFFFFFD0];
	v10 =	vpop (erf)  }
0x1a7: {  	v8 =	vadd.f32 v10, v8;
	v6 =	vmul.f32 $1.442695020e+00, v6;
	(erf) = vpow2.f32 v5  }
0x1a8: {  	v5 =	vld [tilespmem:s16+$0xFFFFFFE0];
	v10 =	vpop (erf)  }
0x1a9: {  	v9 =	vmul.f32 $1.442695020e+00, v9;
	v8 =	vadd.f32 v10, v8;
	(erf) = vpow2.f32 v6  }
0x1aa: {  	v6 =	vld [tilespmem:s16+$0xFFFFFFF0];
	v10 =	vpop (erf)  }
0x1ab: {  	v7 =	vmul.f32 $1.442695020e+00, v7;
	(erf) = vpow2.f32 v9;
	v8 =	vadd.f32 v10, v8  }
0x1ac: {  	v9 =	vld [tilespmem:s16+$0x0];
	v10 =	vpop (erf)  }
0x1ad: {  	v5 =	vmul.f32 $1.442695020e+00, v5;
	(erf) = vpow2.f32 v7;
	v7 =	vadd.f32 v10, v8  }
0x1ae: {  	v8 =	vld [tilespmem:s16+$0x10];
	v10 =	vpop (erf)  }
.Ltmp4:
0x1af: {  	v6 =	vmul.f32 $1.442695020e+00, v6;
	(erf) = vpow2.f32 v5;
	v7 =	vadd.f32 v10, v7;
	(pc) =	sbr.rel @p1 .LBB2_11-.Ltmp4, $4  }
0x1b0: {  	v5 =	vld [tilespmem:s16+$0x20];
	v10 =	vpop (erf)  }
0x1b1: {  	v9 =	vmul.f32 $1.442695020e+00, v9;
	(erf) = vpow2.f32 v6;
	v10 =	vadd.f32 v10, v7  }
0x1b2: {  	v6 =	vld [tilespmem:s16+$0x30];
	v11 =	vpop (erf)  }
0x1b3: {  	s16 =	sadd.s32 $0x100, s16;
	v7 =	vmul.f32 $1.442695020e+00, v8;
	(erf) = vpow2.f32 v9;
	v8 =	vadd.f32 v11, v10  }
0x1b4: {  	_ = 	snop  }
0x1b5: {  	v9 =	vpop (erf);
	v5 =	vmul.f32 $1.442695020e+00, v5  }
0x1b6: {  	v8 =	vadd.f32 v9, v8;
	(erf) = vpow2.f32 v7  }
0x1b7: {  	v7 =	vpop (erf);
	v6 =	vmul.f32 $1.442695020e+00, v6  }
0x1b8: {  	v7 =	vadd.f32 v7, v8;
	(erf) = vpow2.f32 v5  }
0x1b9: {  	v5 =	vpop (erf)  }
0x1ba: {  	(erf) = vpow2.f32 v6;
	v5 =	vadd.f32 v5, v7  }
0x1bb: {  	v6 =	vpop (erf)  }
0x1bc: {  	v5 =	vadd.f32 v6, v5  }
0x1bd: {  	v6 =	vpop (erf)  }
0x1be: {  	v5 =	vadd.f32 v6, v5  }
0x1bf: {  	v6 =	vpop (erf)  }
0x1c0: {  	v5 =	vadd.f32 v6, v5  }
0x1c1: {  	v6 =	vpop (erf)  }
0x1c2: {  	v5 =	vadd.f32 v6, v5  }
0x1c3: {  	v6 =	vpop (erf)  }
0x1c4: {  	v5 =	vadd.f32 v6, v5;
	_ =	sdelay $0x1  }
0x1c5: {  	(xrf2) =	vadd.scan.msk.f32 $0xffff, v5;
	_ =	sdelay $0x7  }
0x1c6: {  	v5 =	vld [tilespmem:$0x4180];
	_ =	sdelay $0x1  }
0x1c7: {  	s7 =	sand.u32 $0xC, s7;
	v6, _, _ =	vpop (xrf2)  }
0x1c8: {  	v7 =	vmov s7;
	v6 =	vbroadcast v6, $0xF  }
0x1c9: {  	vm3 =	veq.s32 v7, v0  }
0x1ca: {  	v5 =	vsel vm3, v6, v5  }
0x1cb: {  	s15 =	simm.s32 $0xC3F0;
	[tilespmem:$0x4180] =	vst v5  }
0x1cc: {  	v6 =	vld [tilespmem:s15+$0xFFFFFF90];
	_ =	sdelay $0x1  }
0x1cd: {  	v7 =	vld [tilespmem:s15+$0xFFFFFFA0];
	_ =	sdelay $0x1  }
0x1ce: {  	v8 =	vld [tilespmem:s15+$0xFFFFFFB0]  }
0x1cf: {  	v6 =	vmul.f32 $1.442695020e+00, v6  }
0x1d0: {  	v9 =	vld [tilespmem:s15+$0xFFFFFFC0]  }
0x1d1: {  	v7 =	vmul.f32 $1.442695020e+00, v7;
	(erf) = vpow2.f32 v6  }
0x1d2: {  	v10 =	vld [tilespmem:s15+$0xFFFFFFD0]  }
0x1d3: {  	v6 =	vmul.f32 $1.442695020e+00, v8;
	(erf) = vpow2.f32 v7  }
0x1d4: {  	v11 =	vld [tilespmem:s15+$0xFFFFFFE0]  }
0x1d5: {  	v7 =	vmul.f32 $1.442695020e+00, v9;
	(erf) = vpow2.f32 v6  }
0x1d6: {  	v6 =	vld [tilespmem:s15+$0xFFFFFFF0]  }
0x1d7: {  	v10 =	vmul.f32 $1.442695020e+00, v10;
	(erf) = vpow2.f32 v7  }
0x1d8: {  	v7 =	vld [tilespmem:s15+$0x0]  }
0x1d9: {  	s7 =	simm.s32 $0x0;
	v8 =	vmul.f32 $1.442695020e+00, v11;
	v9 =	vimm.f32 $0.0e+00;
	s15 =	simm.s32 $0xC4F0;
	(erf) = vpow2.f32 v10  }
.LBB2_13:
0x1da: {  	v10 =	vld [tilespmem:s15+$0xFFFFFF90];
	s7 =	sadd.s32 $0x8, s7;
	v11 =	vpop (erf)  }
0x1db: {  	p1 =	slt.u32 s7, $0x1F8;
	v9 =	vadd.f32 v11, v9;
	v6 =	vmul.f32 $1.442695020e+00, v6;
	(erf) = vpow2.f32 v8  }
0x1dc: {  	v8 =	vld [tilespmem:s15+$0xFFFFFFA0];
	v11 =	vpop (erf)  }
0x1dd: {  	v9 =	vadd.f32 v11, v9;
	v7 =	vmul.f32 $1.442695020e+00, v7;
	(erf) = vpow2.f32 v6  }
0x1de: {  	v6 =	vld [tilespmem:s15+$0xFFFFFFB0];
	v11 =	vpop (erf)  }
0x1df: {  	v10 =	vmul.f32 $1.442695020e+00, v10;
	v9 =	vadd.f32 v11, v9;
	(erf) = vpow2.f32 v7  }
0x1e0: {  	v7 =	vld [tilespmem:s15+$0xFFFFFFC0];
	v11 =	vpop (erf)  }
0x1e1: {  	v8 =	vmul.f32 $1.442695020e+00, v8;
	(erf) = vpow2.f32 v10;
	v9 =	vadd.f32 v11, v9  }
0x1e2: {  	v10 =	vld [tilespmem:s15+$0xFFFFFFD0];
	v11 =	vpop (erf)  }
0x1e3: {  	v6 =	vmul.f32 $1.442695020e+00, v6;
	(erf) = vpow2.f32 v8;
	v8 =	vadd.f32 v11, v9  }
0x1e4: {  	v9 =	vld [tilespmem:s15+$0xFFFFFFE0];
	v11 =	vpop (erf)  }
.Ltmp5:
0x1e5: {  	v7 =	vmul.f32 $1.442695020e+00, v7;
	(erf) = vpow2.f32 v6;
	v8 =	vadd.f32 v11, v8;
	(pc) =	sbr.rel @p1 .LBB2_13-.Ltmp5, $4  }
0x1e6: {  	v6 =	vld [tilespmem:s15+$0xFFFFFFF0];
	v11 =	vpop (erf)  }
0x1e7: {  	v10 =	vmul.f32 $1.442695020e+00, v10;
	(erf) = vpow2.f32 v7;
	v11 =	vadd.f32 v11, v8  }
0x1e8: {  	v7 =	vld [tilespmem:s15+$0x0];
	v12 =	vpop (erf)  }
0x1e9: {  	s15 =	sadd.s32 $0x100, s15;
	v8 =	vmul.f32 $1.442695020e+00, v9;
	(erf) = vpow2.f32 v10;
	v9 =	vadd.f32 v12, v11  }
0x1ea: {  	_ = 	snop  }
0x1eb: {  	v10 =	vpop (erf);
	v6 =	vmul.f32 $1.442695020e+00, v6  }
0x1ec: {  	v9 =	vadd.f32 v10, v9;
	(erf) = vpow2.f32 v8  }
0x1ed: {  	v8 =	vpop (erf);
	v7 =	vmul.f32 $1.442695020e+00, v7  }
0x1ee: {  	v8 =	vadd.f32 v8, v9;
	(erf) = vpow2.f32 v6  }
0x1ef: {  	v6 =	vpop (erf)  }
0x1f0: {  	(erf) = vpow2.f32 v7;
	v6 =	vadd.f32 v6, v8  }
0x1f1: {  	v7 =	vpop (erf)  }
0x1f2: {  	v6 =	vadd.f32 v7, v6  }
0x1f3: {  	v7 =	vpop (erf)  }
0x1f4: {  	v6 =	vadd.f32 v7, v6  }
0x1f5: {  	v7 =	vpop (erf)  }
0x1f6: {  	v6 =	vadd.f32 v7, v6  }
0x1f7: {  	v7 =	vpop (erf)  }
0x1f8: {  	v6 =	vadd.f32 v7, v6  }
0x1f9: {  	v7 =	vpop (erf)  }
0x1fa: {  	v6 =	vadd.f32 v7, v6;
	_ =	sdelay $0x1  }
0x1fb: {  	(xrf2) =	vadd.scan.msk.f32 $0xffff, v6;
	_ =	sdelay $0x9  }
0x1fc: {  	s6 =	sand.u32 $0xD, s6;
	v6, _, _ =	vpop (xrf2)  }
0x1fd: {  	v7 =	vmov s6;
	v6 =	vbroadcast v6, $0xF  }
0x1fe: {  	vm3 =	veq.s32 v7, v0  }
0x1ff: {  	s28 =	sshll.u32 s28, $0x1;
	v5 =	vsel vm3, v6, v5  }
0x200: {  	s16 =	sadd.s32 s5, s28;
	[tilespmem:$0x4180] =	vst v5  }
0x201: {  	s6 =	sshll.u32 s16, $0xA;
	_ =	swait.ge [sflag:s3], $0x4000  }
0x202: {  	s6 =	sand.u32 $0x1FFFE000, s6;
	[sflag:s3] =	ssyncset.done $0x0  }
0x203: {  	s6 =	sadd.s32 s6, s17;
	[sflag:s3] =	ssyncadd.s32 $0xFFFFC000  }
0x204: {  	[hbm4b:s6+s2] =	stream.strided.scatter [tilespmem:s21], [sflag:$0x8], $0x4000, s24, s2, $0x38;
	[tilespmem:$0x14300] =	vst v63  }
0x205: {  	s6 =	simm.s32 @!p0 $0x6  }
0x206: {  	_ =	swait.ge @!p0 [sflag:s6], $0x4000  }
0x207: {  	[sflag:s6] =	ssyncset.done @!p0 $0x0  }
0x208: {  	[sflag:s6] =	ssyncadd.s32 @!p0 $0xFFFFC000  }
0x209: {  	v5 =	vld.msk @!p0 [tilespmem:s29+$0x280], $0x3;
	_ =	sdelay $0x4  }
0x20a: {  	v6 =	vshll.u32 @!p0 v5, $0x6  }
0x20b: {  	v7 =	vlaneseq.u32 @!p0;
	v5 =	vand.u32 @!p0 $0x7, v5;
	v6 =	vand.u32 @!p0 $0xFFFFFE00, v6  }
0x20c: {  	v5 =	vor.u32 @!p0 v5, v6;
	v6 =	vand.u32 @!p0 $0x1, v7;
	v7 =	vshrl.u32 @!p0 v7, $0x1  }
0x20d: {  	v5 =	vperm.xlane @!p0 v5, v6;
	v6 =	vmul.u32 @!p0 $0x8, v7;
	_ =	sdelay $0x1  }
0x20e: {  	v5 =	vadd.s32 @!p0 v6, v5;
	_ =	sdelay $0x3  }
0x20f: {  	s7 =	simm.s32 @!p0 $0x0;
	s6 =	simm.s32 @!p0 $0x8300  }
0x210: {  	[tilespmem:s6], [sflag:$0x2] =	stream.indirect_vreg.gather @!p0 [hbm4b:s1+s7], $0x80, v5, vm2, $0xb8;
	[tilespmem:$0x14300] =	vst v63  }
0x211: {  	s6 =	simm.s32 @!p0 $0x8B00  }
0x212: {  	[tilespmem:s6], [sflag:$0x2] =	stream.indirect_vreg.gather @!p0 [hbm4b:s8+s7], $0x80, v5, vm2, $0xb8;
	[tilespmem:$0x14300] =	vst v63  }
0x213: {  	s6 =	simm.s32 @!p0 $0x9300  }
0x214: {  	[tilespmem:s6], [sflag:$0x2] =	stream.indirect_vreg.gather @!p0 [hbm4b:s9+s7], $0x80, v5, vm2, $0xb8;
	[tilespmem:$0x14300] =	vst v63  }
0x215: {  	s6 =	simm.s32 @!p0 $0x9B00  }
0x216: {  	[tilespmem:s6], [sflag:$0x2] =	stream.indirect_vreg.gather @!p0 [hbm4b:s10+s7], $0x80, v5, vm2, $0xb8;
	[tilespmem:$0x14300] =	vst v63  }
0x217: {  	s6 =	simm.s32 @!p0 $0xA300  }
0x218: {  	[tilespmem:s6], [sflag:$0x2] =	stream.indirect_vreg.gather @!p0 [hbm4b:s11+s7], $0x80, v5, vm2, $0xb8;
	[tilespmem:$0x14300] =	vst v63  }
0x219: {  	s15 =	simm.s32 @!p0 $0xAB00;
	v6 =	vadd.s32 s28, v0;
	s6 =	sor.u32 $0x1, s28  }
0x21a: {  	v6 =	vmin.u32 v6, s6;
	[tilespmem:s15], [sflag:$0x2] =	stream.indirect_vreg.gather @!p0 [hbm4b:s12+s7], $0x80, v5, vm2, $0xb8;
	[tilespmem:$0x14300] =	vst v63  }
0x21b: {  	s15 =	simm.s32 @!p0 $0xB300  }
0x21c: {  	[tilespmem:s15], [sflag:$0x2] =	stream.indirect_vreg.gather @!p0 [hbm4b:s13+s7], $0x80, v5, vm2, $0xb8;
	[tilespmem:$0x14300] =	vst v63  }
0x21d: {  	s15 =	simm.s32 @!p0 $0xBB00  }
0x21e: {  	[tilespmem:s15], [sflag:$0x2] =	stream.indirect_vreg.gather @!p0 [hbm4b:s14+s7], $0x80, v5, vm2, $0xb8;
	[tilespmem:$0x14300] =	vst v63  }
0x21f: {  	v5 =	vld.idx.msk [tilespmem:v6+s22+$0x0], $0xffff;
	_ =	sdelay $0x4  }
0x220: {  	v6 =	vshll.u32 v5, $0x1  }
0x221: {  	v5 =	vand.u32 $0x7F, v5;
	v6 =	vand.u32 $0xFFFFFF00, v6  }
0x222: {  	v5 =	vor.u32 v6, v5  }
0x223: {  	v5 =	vor.u32 v4, v5;
	_ =	sdelay $0x4  }
0x224: {  	v5 =	vld.idx.msk [tilespmem:v5+s21+$0x0], $0xffff;
	_ =	sdelay $0x4  }
0x225: {  	v5 =	vnsel vm1, $0x0, v5  }
0x226: {  	s30 =	simm.s32 $0x10340;
	[tilespmem:s19+$0x0] =	vst.add.f32.msk $0xffff, v5  }
0x227: {  	v5 =	vld [tilespmem:s30+$0xFFFFFFC0];
	_ =	sdelay $0x1  }
0x228: {  	v6 =	vld [tilespmem:s30+$0xFFFFFFD0];
	_ =	sdelay $0x1  }
0x229: {  	v7 =	vld [tilespmem:s30+$0xFFFFFFE0]  }
0x22a: {  	v5 =	vmul.f32 $1.442695020e+00, v5  }
0x22b: {  	v8 =	vld [tilespmem:s30+$0xFFFFFFF0]  }
0x22c: {  	v6 =	vmul.f32 $1.442695020e+00, v6;
	(erf) = vpow2.f32 v5  }
0x22d: {  	v9 =	vld [tilespmem:s30+$0x0]  }
0x22e: {  	v5 =	vmul.f32 $1.442695020e+00, v7;
	(erf) = vpow2.f32 v6  }
0x22f: {  	v10 =	vld [tilespmem:s30+$0x10]  }
0x230: {  	v6 =	vmul.f32 $1.442695020e+00, v8;
	(erf) = vpow2.f32 v5  }
0x231: {  	v5 =	vld [tilespmem:s30+$0x20]  }
0x232: {  	v9 =	vmul.f32 $1.442695020e+00, v9;
	(erf) = vpow2.f32 v6  }
0x233: {  	v6 =	vld [tilespmem:s30+$0x30]  }
0x234: {  	s7 =	simm.s32 $0x0;
	s15 =	simm.s32 $0x10440;
	v7 =	vmul.f32 $1.442695020e+00, v10;
	v8 =	vimm.f32 $0.0e+00;
	(erf) = vpow2.f32 v9  }
.LBB2_15:
0x235: {  	v9 =	vld [tilespmem:s15+$0xFFFFFFC0];
	s7 =	sadd.s32 $0x8, s7;
	v10 =	vpop (erf)  }
0x236: {  	p0 =	slt.u32 s7, $0x1F8;
	v8 =	vadd.f32 v10, v8;
	v5 =	vmul.f32 $1.442695020e+00, v5;
	(erf) = vpow2.f32 v7  }
0x237: {  	v7 =	vld [tilespmem:s15+$0xFFFFFFD0];
	v10 =	vpop (erf)  }
0x238: {  	v8 =	vadd.f32 v10, v8;
	v6 =	vmul.f32 $1.442695020e+00, v6;
	(erf) = vpow2.f32 v5  }
0x239: {  	v5 =	vld [tilespmem:s15+$0xFFFFFFE0];
	v10 =	vpop (erf)  }
0x23a: {  	v9 =	vmul.f32 $1.442695020e+00, v9;
	v8 =	vadd.f32 v10, v8;
	(erf) = vpow2.f32 v6  }
0x23b: {  	v6 =	vld [tilespmem:s15+$0xFFFFFFF0];
	v10 =	vpop (erf)  }
0x23c: {  	v7 =	vmul.f32 $1.442695020e+00, v7;
	(erf) = vpow2.f32 v9;
	v8 =	vadd.f32 v10, v8  }
0x23d: {  	v9 =	vld [tilespmem:s15+$0x0];
	v10 =	vpop (erf)  }
0x23e: {  	v5 =	vmul.f32 $1.442695020e+00, v5;
	(erf) = vpow2.f32 v7;
	v7 =	vadd.f32 v10, v8  }
0x23f: {  	v8 =	vld [tilespmem:s15+$0x10];
	v10 =	vpop (erf)  }
.Ltmp6:
0x240: {  	v6 =	vmul.f32 $1.442695020e+00, v6;
	(erf) = vpow2.f32 v5;
	v7 =	vadd.f32 v10, v7;
	(pc) =	sbr.rel @p0 .LBB2_15-.Ltmp6, $4  }
0x241: {  	v5 =	vld [tilespmem:s15+$0x20];
	v10 =	vpop (erf)  }
0x242: {  	v9 =	vmul.f32 $1.442695020e+00, v9;
	(erf) = vpow2.f32 v6;
	v10 =	vadd.f32 v10, v7  }
0x243: {  	v6 =	vld [tilespmem:s15+$0x30];
	v11 =	vpop (erf)  }
0x244: {  	s15 =	sadd.s32 $0x100, s15;
	v7 =	vmul.f32 $1.442695020e+00, v8;
	(erf) = vpow2.f32 v9;
	v8 =	vadd.f32 v11, v10  }
0x245: {  	_ = 	snop  }
0x246: {  	v9 =	vpop (erf);
	v5 =	vmul.f32 $1.442695020e+00, v5  }
0x247: {  	v8 =	vadd.f32 v9, v8;
	(erf) = vpow2.f32 v7  }
0x248: {  	v7 =	vpop (erf);
	v6 =	vmul.f32 $1.442695020e+00, v6  }
0x249: {  	v7 =	vadd.f32 v7, v8;
	(erf) = vpow2.f32 v5  }
0x24a: {  	v5 =	vpop (erf)  }
0x24b: {  	(erf) = vpow2.f32 v6;
	v5 =	vadd.f32 v5, v7  }
0x24c: {  	v6 =	vpop (erf)  }
0x24d: {  	v5 =	vadd.f32 v6, v5  }
0x24e: {  	v6 =	vpop (erf)  }
0x24f: {  	v5 =	vadd.f32 v6, v5  }
0x250: {  	v6 =	vpop (erf)  }
0x251: {  	v5 =	vadd.f32 v6, v5  }
0x252: {  	v6 =	vpop (erf)  }
0x253: {  	v5 =	vadd.f32 v6, v5  }
0x254: {  	v6 =	vpop (erf)  }
0x255: {  	v5 =	vadd.f32 v6, v5;
	_ =	sdelay $0x1  }
0x256: {  	(xrf2) =	vadd.scan.msk.f32 $0xffff, v5;
	_ =	sdelay $0x7  }
0x257: {  	v5 =	vld [tilespmem:$0x4180];
	_ =	sdelay $0x1  }
0x258: {  	s7 =	sand.u32 $0xE, s28;
	v6, _, _ =	vpop (xrf2)  }
0x259: {  	v7 =	vmov s7;
	v6 =	vbroadcast v6, $0xF  }
0x25a: {  	vm2 =	veq.s32 v7, v0  }
0x25b: {  	v5 =	vsel vm2, v6, v5  }
0x25c: {  	s15 =	simm.s32 $0x103F0;
	[tilespmem:$0x4180] =	vst v5  }
0x25d: {  	v6 =	vld [tilespmem:s15+$0xFFFFFF90];
	_ =	sdelay $0x1  }
0x25e: {  	v7 =	vld [tilespmem:s15+$0xFFFFFFA0];
	_ =	sdelay $0x1  }
0x25f: {  	v8 =	vld [tilespmem:s15+$0xFFFFFFB0]  }
0x260: {  	v6 =	vmul.f32 $1.442695020e+00, v6  }
0x261: {  	v9 =	vld [tilespmem:s15+$0xFFFFFFC0]  }
0x262: {  	v7 =	vmul.f32 $1.442695020e+00, v7;
	(erf) = vpow2.f32 v6  }
0x263: {  	v10 =	vld [tilespmem:s15+$0xFFFFFFD0]  }
0x264: {  	v6 =	vmul.f32 $1.442695020e+00, v8;
	(erf) = vpow2.f32 v7  }
0x265: {  	v11 =	vld [tilespmem:s15+$0xFFFFFFE0]  }
0x266: {  	v7 =	vmul.f32 $1.442695020e+00, v9;
	(erf) = vpow2.f32 v6  }
0x267: {  	v6 =	vld [tilespmem:s15+$0xFFFFFFF0]  }
0x268: {  	v10 =	vmul.f32 $1.442695020e+00, v10;
	(erf) = vpow2.f32 v7  }
0x269: {  	v7 =	vld [tilespmem:s15+$0x0]  }
0x26a: {  	s7 =	simm.s32 $0x0;
	v8 =	vmul.f32 $1.442695020e+00, v11;
	v9 =	vimm.f32 $0.0e+00;
	s15 =	simm.s32 $0x104F0;
	(erf) = vpow2.f32 v10  }
.LBB2_17:
0x26b: {  	v10 =	vld [tilespmem:s15+$0xFFFFFF90];
	s7 =	sadd.s32 $0x8, s7;
	v11 =	vpop (erf)  }
0x26c: {  	p0 =	slt.u32 s7, $0x1F8;
	v9 =	vadd.f32 v11, v9;
	v6 =	vmul.f32 $1.442695020e+00, v6;
	(erf) = vpow2.f32 v8  }
0x26d: {  	v8 =	vld [tilespmem:s15+$0xFFFFFFA0];
	v11 =	vpop (erf)  }
0x26e: {  	v9 =	vadd.f32 v11, v9;
	v7 =	vmul.f32 $1.442695020e+00, v7;
	(erf) = vpow2.f32 v6  }
0x26f: {  	v6 =	vld [tilespmem:s15+$0xFFFFFFB0];
	v11 =	vpop (erf)  }
0x270: {  	v10 =	vmul.f32 $1.442695020e+00, v10;
	v9 =	vadd.f32 v11, v9;
	(erf) = vpow2.f32 v7  }
0x271: {  	v7 =	vld [tilespmem:s15+$0xFFFFFFC0];
	v11 =	vpop (erf)  }
0x272: {  	v8 =	vmul.f32 $1.442695020e+00, v8;
	(erf) = vpow2.f32 v10;
	v9 =	vadd.f32 v11, v9  }
0x273: {  	v10 =	vld [tilespmem:s15+$0xFFFFFFD0];
	v11 =	vpop (erf)  }
0x274: {  	v6 =	vmul.f32 $1.442695020e+00, v6;
	(erf) = vpow2.f32 v8;
	v8 =	vadd.f32 v11, v9  }
0x275: {  	v9 =	vld [tilespmem:s15+$0xFFFFFFE0];
	v11 =	vpop (erf)  }
.Ltmp7:
0x276: {  	v7 =	vmul.f32 $1.442695020e+00, v7;
	(erf) = vpow2.f32 v6;
	v8 =	vadd.f32 v11, v8;
	(pc) =	sbr.rel @p0 .LBB2_17-.Ltmp7, $4  }
0x277: {  	v6 =	vld [tilespmem:s15+$0xFFFFFFF0];
	v11 =	vpop (erf)  }
0x278: {  	v10 =	vmul.f32 $1.442695020e+00, v10;
	(erf) = vpow2.f32 v7;
	v11 =	vadd.f32 v11, v8  }
0x279: {  	v7 =	vld [tilespmem:s15+$0x0];
	v12 =	vpop (erf)  }
0x27a: {  	s15 =	sadd.s32 $0x100, s15;
	v8 =	vmul.f32 $1.442695020e+00, v9;
	(erf) = vpow2.f32 v10;
	v9 =	vadd.f32 v12, v11  }
0x27b: {  	_ = 	snop  }
0x27c: {  	v10 =	vpop (erf);
	v6 =	vmul.f32 $1.442695020e+00, v6  }
0x27d: {  	v9 =	vadd.f32 v10, v9;
	(erf) = vpow2.f32 v8  }
0x27e: {  	v63 =	vpop (erf);
	v7 =	vmul.f32 $1.442695020e+00, v7  }
0x27f: {  	v8 =	vadd.f32 v63, v9;
	(erf) = vpow2.f32 v6  }
0x280: {  	v6 =	vpop (erf)  }
0x281: {  	(erf) = vpow2.f32 v7;
	v6 =	vadd.f32 v6, v8  }
0x282: {  	v7 =	vpop (erf)  }
0x283: {  	v6 =	vadd.f32 v7, v6  }
0x284: {  	v7 =	vpop (erf)  }
0x285: {  	v6 =	vadd.f32 v7, v6  }
0x286: {  	v7 =	vpop (erf)  }
0x287: {  	v6 =	vadd.f32 v7, v6  }
0x288: {  	v7 =	vpop (erf)  }
0x289: {  	v6 =	vadd.f32 v7, v6  }
0x28a: {  	v7 =	vpop (erf)  }
0x28b: {  	v6 =	vadd.f32 v7, v6;
	_ =	sdelay $0x1  }
0x28c: {  	(xrf2) =	vadd.scan.msk.f32 $0xffff, v6;
	_ =	sdelay $0x8  }
0x28d: {  	s26 =	sadd.s32 $0x1, s26  }
0x28e: {  	s6 =	sand.u32 $0xF, s6;
	p1 =	sne.s32 s26, $0x20;
	v6, _, _ =	vpop (xrf2)  }
.Ltmp8:
0x28f: {  	v7 =	vmov s6;
	v6 =	vbroadcast v6, $0xF;
	(pc) =	sbr.rel @p1 .LBB2_2-.Ltmp8, $4  }
0x290: {  	vm2 =	veq.s32 v7, v0  }
0x291: {  	v5 =	vsel vm2, v6, v5  }
0x292: {  	p0 =	sne.s32 s6, $0xF;
	[tilespmem:$0x4180] =	vst v5  }
0x293: {  	[tilespmem:s28+$0x41F2] =	vst @!p0 v5  }
0x294: {  	s6 =	rddreg [dreg:$0x9];
	s7 =	simm.s32 $0x9  }
0x295: {  	[hbm4b:s6+s4] =	stream.linear.scatter [tilespmem:s19], [sflag:$0x9], $0x80, $0x38;
	[tilespmem:$0x14300] =	vst v63  }
0x296: {  	_ =	swait.ge [sflag:s7], $0x80  }
0x297: {  	s15 =	simm.s32 $0x80;
	[sflag:s7] =	ssyncset.done $0x0  }
0x298: {  	s16 =	simm.s32 $0x4200;
	s30 =	rddreg [dreg:$0xa];
	[sflag:s7] =	ssyncadd.s32 $0xFFFFFF80  }
0x299: {  	[hbm4b:s30+s15] =	stream.strided.scatter [tilespmem:s16], [sflag:$0x9], $0x100, s24, s15, $0x38;
	[tilespmem:$0x14300] =	vst v63  }
0x29a: {  	_ =	swait.ge [sflag:s7], $0x100  }
0x29b: {  	[sflag:s7] =	ssyncset.done $0x0  }
0x29c: {  	s15 =	simm.s32 $0x5;
	[sflag:s7] =	ssyncadd.s32 $0xFFFFFF00  }
0x29d: {  	_ =	swait.ge [sflag:s15], $0x4000  }
0x29e: {  	[sflag:s15] =	ssyncset.done $0x0  }
0x29f: {  	s16 =	simm.s32 $0x6;
	[sflag:s15] =	ssyncadd.s32 $0xFFFFC000  }
0x2a0: {  	_ =	swait.ge [sflag:s16], $0x4000  }
0x2a1: {  	[sflag:s16] =	ssyncset.done $0x0  }
0x2a2: {  	s26 =	simm.s32 $0x7;
	[sflag:s16] =	ssyncadd.s32 $0xFFFFC000  }
0x2a3: {  	_ =	swait.ge [sflag:s26], $0x4000  }
0x2a4: {  	[sflag:s26] =	ssyncset.done $0x0  }
0x2a5: {  	s28 =	simm.s32 $0x8;
	[sflag:s26] =	ssyncadd.s32 $0xFFFFC000  }
0x2a6: {  	_ =	swait.ge [sflag:s28], $0x4000  }
0x2a7: {  	s29 =	rddreg [dreg:$0xc]  }
0x2a8: {  	s30 =	rddreg [dreg:$0xb];
	s16 =	sadd.s32 $0x1, s29  }
0x2a9: {  	p0 =	sne.s32 s16, s30  }
.Ltmp9:
0x2aa: {  	_ = 	snop;
	(pc) =	sbr.rel @p0 .LBB2_1-.Ltmp9, $3  }
0x2ab: {  	_ =	sdelay $0x1  }
0x2ac: {  	[sflag:s28] =	ssyncset.done $0x0  }
0x2ad: {  	[sflag:s28] =	ssyncadd.s32 $0xFFFFC000  }
0x2ae: {  	_ =	sfence.sel $0x180000  }
0x2af: {  	[bflag:$0x0] =	sbarrier.arrive $0xFFFF  }
0x2b0: {  	_ =	strace $0x90000047  }
0x2b1: {  	s0 =	stileid.u32;
	[bflag:$0x2] =	sbarrier.arrive $0xFFFF  }
0x2b2: {  	p0 =	sne.s32 s0, $0x0;
	s0 =	rddreg [dreg:$0x4]  }
0x2b3: {  	s0 =	sadd.s32 @!p0 $0x100000, s0  }
0x2b4: {  	[sflag:s0] =	ssyncadd.tile.s32 @!p0 $0x1;
	_ =	shalt  }
.Lfunc_end2:
_tile_overlayer_lowered:
.L_overlay_start_2:
0x2b5: {  	(tag) =	ssettag $0x2  }
0x2b6: {  	s0 =	rddreg [dreg:$0x0];
	s2 =	stileid.u32  }
0x2b7: {  	s1 =	rddreg [dreg:$0x1];
	p0 =	sne.s32 s2, $0x0  }
0x2b8: {  	s3 =	rddreg [dreg:$0x2];
	[bflag:$0x3] =	sbarrier.arrive $0xFFFF;
	s2 =	simm.s32 @!p0 $0x1C09  }
0x2b9: {  	[timem:s3], [sflag:s2] =	dma.local @!p0 [hbm:s0], s1  }
0x2ba: {  	s0 =	simm.s32 @!p0 $0x9  }
0x2bb: {  	_ =	swait.ge @!p0 [sflag:s0], s1  }
0x2bc: {  	s1 =	ssub.s32 @!p0 $0x0, s1;
	[sflag:s0] =	ssyncset.done @!p0 $0x0  }
0x2bd: {  	[sflag:s0] =	ssyncadd.s32 @!p0 s1  }
0x2be: {  	[bflag:$0x3] =	sbarrier.arrive $0xFFFF  }
0x2bf: {  	_ =	shalt  }

</sc_bundles>
